<compile_context>
chip_gen: v7x
topology: tpu7x:2x2x1
jax: 0.10.2.dev20260603
libtpu: 0.0.44.dev20260713+nightly
codegen_flags: <defaults>
</compile_context>

<pallas_src>
import functools

import jax
import jax.numpy as jnp
from jax import lax
from jax.experimental import pallas as pl
from jax.experimental.pallas import tpu as pltpu
from jax.experimental.pallas import tpu_sc as plsc

N_NODES = 10000
N_EDGES = 160000
D = 256
L = 128
NC = 2
NS = 16
B = 128
NBT = 80
EP = NS * NBT * B
ROWS = 10112
RPT = ROWS // NS
TRASH = 10104


def _sc_aggregate(x2, gidx):
    mesh = plsc.VectorSubcoreMesh(core_axis_name="c", subcore_axis_name="s")

    @functools.partial(
        pl.kernel,
        out_type=[
            jax.ShapeDtypeStruct((NC, ROWS, L), jnp.float32),
            jax.ShapeDtypeStruct((ROWS,), jnp.float32),
        ],
        mesh=mesh,
        scratch_types=[
            pltpu.VMEM((2, B), jnp.int32),
            pltpu.VMEM((2, B), jnp.int32),
            pltpu.VMEM((B,), jnp.float32),
            pltpu.VMEM((RPT,), jnp.float32),
            pltpu.VMEM((B, L), jnp.float32),
            pltpu.VMEM((B, L), jnp.float32),
            pltpu.VMEM_SHARED((ROWS, L), jnp.float32),
            pltpu.VMEM_SHARED((ROWS,), jnp.float32),
            pltpu.SemaphoreType.DMA,
            pltpu.SemaphoreType.DMA,
            pltpu.SemaphoreType.DMA,
            pltpu.SemaphoreType.DMA,
            pltpu.SemaphoreType.DMA,
            pltpu.SemaphoreType.DMA,
        ],
    )
    def sc_kernel(x2_h, eidx_h, agg_o, deg_o,
                  idxb0, idxb1, ones1, dstg, rows0, rows1, acc_s, deg_s,
                  sem0, sem1, semi0, semi1, semd0, semd1):
        c = lax.axis_index("c")
        s = lax.axis_index("s")
        base = s * RPT
        zero = jnp.zeros((16,), jnp.float32)
        one = jnp.full((16,), 1.0, jnp.float32)

        def zr(i, _):
            def zc(j, _):
                rows0[i, pl.ds(pl.multiple_of(j * 16, 16), 16)] = zero
                return 0
            lax.fori_loop(0, L // 16, zc, 0)
            return 0
        lax.fori_loop(0, B, zr, 0)

        def orow(j, _):
            ones1[pl.ds(pl.multiple_of(j * 16, 16), 16)] = one
            return 0
        lax.fori_loop(0, B // 16, orow, 0)

        def zdg(j, _):
            dstg[pl.ds(pl.multiple_of(j * 16, 16), 16)] = zero
            return 0
        lax.fori_loop(0, RPT // 16, zdg, 0)
        if RPT % 16:
            dstg[pl.ds(RPT - 16, 16)] = zero

        nfull, rem = RPT // B, RPT % B
        for k in range(nfull):
            pltpu.sync_copy(rows0, acc_s.at[pl.ds(base + k * B, B)])
        if rem:
            pltpu.sync_copy(rows0.at[pl.ds(0, rem)],
                            acc_s.at[pl.ds(base + nfull * B, rem)])

        @pl.when(c == 0)
        def _():
            pltpu.sync_copy(dstg, deg_s.at[pl.ds(base, RPT)])

        plsc.subcore_barrier()

        grow = (c * NS + s) * NBT
        bufs = ((idxb0, rows0, sem0, semi0, semd0),
                (idxb1, rows1, sem1, semi1, semd1))

        for par in (0, 1):
            ib, _, _, smi, _ = bufs[par]
            pltpu.async_copy(eidx_h.at[grow + par], ib, smi)
        ib0, rv0, sm0, smi0, _ = bufs[0]
        pltpu.make_async_copy(eidx_h.at[grow], ib0, smi0).wait()
        pltpu.async_copy(x2_h.at[ib0.at[0]], rv0, sm0)

        def pair(t2, _):
            for par in (0, 1):
                ib, rv, sm, smi, smd = bufs[par]
                t = t2 * 2 + par
                pltpu.make_async_copy(x2_h.at[ib.at[0]], rv, sm).wait()
                pltpu.sync_copy(rv, acc_s.at[ib.at[1]], add=True)

                @pl.when(c == 0)
                def _():
                    pltpu.async_copy(ones1, deg_s.at[ib.at[1]], smd, add=True)

                @pl.when(t + 1 < NBT)
                def _():
                    ib2, rv2, sm2, smi2, _ = bufs[1 - par]
                    pltpu.make_async_copy(
                        eidx_h.at[grow + t + 1], ib2, smi2).wait()
                    pltpu.async_copy(x2_h.at[ib2.at[0]], rv2, sm2)

                @pl.when(c == 0)
                def _():
                    pltpu.make_async_copy(
                        ones1, deg_s.at[ib.at[1]], smd).wait()

                @pl.when(t + 2 < NBT)
                def _():
                    pltpu.async_copy(eidx_h.at[grow + t + 2], ib, smi)
            return 0
        lax.fori_loop(0, NBT // 2, pair, 0)

        plsc.subcore_barrier()

        pltpu.sync_copy(acc_s.at[pl.ds(base, RPT)],
                        agg_o.at[c].at[pl.ds(base, RPT)])

        @pl.when(c == 0)
        def _():
            pltpu.sync_copy(deg_s.at[pl.ds(base, RPT)], dstg)
            pltpu.sync_copy(dstg, deg_o.at[pl.ds(base, RPT)])

    return sc_kernel(x2, gidx)


def _tc_block(agg_ref, dg_ref, w_ref, b_ref, g_ref, be_ref, o_ref):
    inv = 1.0 / jnp.maximum(dg_ref[...], 1.0)
    a0 = agg_ref[0] * inv
    a1 = agg_ref[1] * inv
    h = jnp.dot(a0, w_ref[0:L, :], preferred_element_type=jnp.float32)
    h = h + jnp.dot(a1, w_ref[L:D, :], preferred_element_type=jnp.float32)
    h = h + b_ref[...]
    mu = jnp.mean(h, axis=-1, keepdims=True)
    d = h - mu
    var = jnp.mean(d * d, axis=-1, keepdims=True)
    h = d * lax.rsqrt(var + 1e-5) * g_ref[...] + be_ref[...]
    o_ref[...] = jnp.maximum(h, 0.0)


def kernel(x, edge_index, W, b, gamma, beta):
    src = edge_index[0]
    dst = edge_index[1]
    pad = EP - N_EDGES
    src_p = jnp.concatenate([src, jnp.zeros((pad,), jnp.int32)])
    dst_p = jnp.concatenate([dst, jnp.full((pad,), TRASH, jnp.int32)])
    gidx = (src_p * 2)[None, :] + jnp.arange(NC, dtype=jnp.int32)[:, None]
    gidx = gidx.reshape(NC, NS * NBT, B)
    dstb = jnp.broadcast_to(dst_p.reshape(1, NS * NBT, B), gidx.shape)
    eidx = jnp.stack([gidx, dstb], axis=2).reshape(NC * NS * NBT, 2, B)
    x2 = x.reshape(2 * N_NODES, L)

    agg, deg = _sc_aggregate(x2, eidx)

    out = pl.pallas_call(
        _tc_block,
        grid=(NS,),
        in_specs=[
            pl.BlockSpec((NC, RPT, L), lambda i: (0, i, 0)),
            pl.BlockSpec((RPT, 1), lambda i: (i, 0)),
            pl.BlockSpec((D, D), lambda i: (0, 0)),
            pl.BlockSpec((1, D), lambda i: (0, 0)),
            pl.BlockSpec((1, D), lambda i: (0, 0)),
            pl.BlockSpec((1, D), lambda i: (0, 0)),
        ],
        out_specs=pl.BlockSpec((RPT, D), lambda i: (i, 0)),
        out_shape=jax.ShapeDtypeStruct((ROWS, D), jnp.float32),
    )(agg, deg.reshape(ROWS, 1), W,
      b.reshape(1, D), gamma.reshape(1, D), beta.reshape(1, D))

    return out[:N_NODES]

# --- scband reference (transcript-rebuilt; emitter-appended) ---
"""Pipeline reference for scband-conv-block-7902739824903 (READ-ONLY COPY).

The authoritative reference and input builder live on the scoring server;
editing this copy changes nothing except your own understanding.
"""

import jax, jax.numpy as jnp
import numpy as np

N_NODES = 10000
N_EDGES = 160000
D_FEAT = 256


def setup_inputs(seed: int = 0) -> dict:
    key = jax.random.key(seed)
    k1, k2, k3 = jax.random.split(key, 3)
    x = jax.random.normal(k1, (N_NODES, D_FEAT), dtype=jnp.float32)
    edge_index = jax.random.randint(k2, (2, N_EDGES), 0, N_NODES, dtype=jnp.int32)
    W = jax.random.normal(k3, (D_FEAT, D_FEAT), dtype=jnp.float32) * (1.0 / np.sqrt(D_FEAT))
    b = jnp.zeros((D_FEAT,), dtype=jnp.float32)
    gamma = jnp.ones((D_FEAT,), dtype=jnp.float32)
    beta = jnp.zeros((D_FEAT,), dtype=jnp.float32)
    return {"x": x, "edge_index": edge_index, "W": W, "b": b, "gamma": gamma, "beta": beta}


def reference(x, edge_index, W, b, gamma, beta):
    # ConvBlock.forward: conv(graph, features) -> norm -> act -> dropout(identity at eval)
    # conv = mean-aggregation GraphConv with dense projection (in=out=256)
    N = x.shape[0]
    src = edge_index[0]
    dst = edge_index[1]
    # message passing: gather source features, scatter-add to destination nodes
    msgs = jnp.take(x, src, axis=0)
    agg = jax.ops.segment_sum(msgs, dst, num_segments=N)
    deg = jax.ops.segment_sum(jnp.ones((src.shape[0],), dtype=x.dtype), dst, num_segments=N)
    h = agg / jnp.maximum(deg, 1.0)[:, None]
    # dense projection (conv weight)
    h = h @ W + b
    # norms: LayerNorm over feature dim
    mu = jnp.mean(h, axis=-1, keepdims=True)
    var = jnp.var(h, axis=-1, keepdims=True)
    h = (h - mu) / jnp.sqrt(var + 1e-5) * gamma + beta
    # act: ReLU
    h = jax.nn.relu(h)
    # dropout: identity (eval mode / p=0.0)
    return h

if __name__ == "__main__":
    import jax
    _d = setup_inputs()
    print(jax.jit(kernel)(*tuple(_d.values())))

</pallas_src>

<mosaic_0001>
#map = affine_map<(d0, d1) -> (0, 0)>
#map1 = affine_map<(d0, d1) -> (0, 0, 0)>
#map2 = affine_map<(d0, d1) -> (0)>
module attributes {stable_mosaic.version = 14 : i64} {
  func.func @sc_kernel(%arg0: i32, %arg1: i32, %arg2: memref<20000x128xf32, #tpu.memory_space<hbm>>, %arg3: memref<2560x2x128xi32, #tpu.memory_space<hbm>>, %arg4: memref<2x10112x128xf32, #tpu.memory_space<hbm>>, %arg5: memref<10112xf32, #tpu.memory_space<hbm>>, %arg6: memref<2x128xi32, #tpu.memory_space<vmem>>, %arg7: memref<2x128xi32, #tpu.memory_space<vmem>>, %arg8: memref<128xf32, #tpu.memory_space<vmem>>, %arg9: memref<632xf32, #tpu.memory_space<vmem>>, %arg10: memref<128x128xf32, #tpu.memory_space<vmem>>, %arg11: memref<128x128xf32, #tpu.memory_space<vmem>>, %arg12: memref<10112x128xf32, #tpu.memory_space<vmem_shared>>, %arg13: memref<10112xf32, #tpu.memory_space<vmem_shared>>, %arg14: memref<!tpu.dma_semaphore, #tpu.memory_space<semaphore_mem>>, %arg15: memref<!tpu.dma_semaphore, #tpu.memory_space<semaphore_mem>>, %arg16: memref<!tpu.dma_semaphore, #tpu.memory_space<semaphore_mem>>, %arg17: memref<!tpu.dma_semaphore, #tpu.memory_space<semaphore_mem>>, %arg18: memref<!tpu.dma_semaphore, #tpu.memory_space<semaphore_mem>>, %arg19: memref<!tpu.dma_semaphore, #tpu.memory_space<semaphore_mem>>) attributes {dimension_semantics = [#tpu.dimension_semantics<core_parallel>, #tpu.dimension_semantics<subcore_parallel>], iteration_bounds = array<i64: 2, 16>, scalar_prefetch = 0 : i64, scratch_operands = 14 : i64, tpu.core_type = #tpu.core_type<sc_vector_subcore>, window_params = [{transform_indices = #map}, {transform_indices = #map1}, {transform_indices = #map1}, {transform_indices = #map2}]} {
    %mul3A = arith.constant 632 : i32
    %mul3A_0 = arith.muli %arg1, %mul3A : i32
    %broadcast_in_dim3A = arith.constant 0.000000e+00 : f32
    %broadcast_in_dim3A_1 = vector.broadcast %broadcast_in_dim3A : f32 to vector<16xf32>
    %broadcast_in_dim3A_2 = arith.constant 1.000000e+00 : f32
    %broadcast_in_dim3A_3 = vector.broadcast %broadcast_in_dim3A_2 : f32 to vector<16xf32>
    %scan3A = arith.constant 0 : i32
    %scan3A_4 = arith.constant 0 : i32
    %scan3A_5 = arith.constant 128 : i32
    %scan3A_6 = arith.addi %scan3A_4, %scan3A_5 : i32
    %scan3A_7 = arith.constant 1 : i32
    %scan3A_8 = scf.for %scan3A_89 = %scan3A_4 to %scan3A_6 step %scan3A_7 iter_args(%scan3A_90 = %scan3A) -> (i32)  : i32 {
      %scan3A_91 = arith.constant 0 : i32
      %scan3A_92 = arith.constant 0 : i32
      %scan3A_93 = arith.constant 8 : i32
      %scan3A_94 = arith.addi %scan3A_92, %scan3A_93 : i32
      %scan3A_95 = arith.constant 1 : i32
      %scan3A_96 = scf.for %scan3A_99 = %scan3A_92 to %scan3A_94 step %scan3A_95 iter_args(%scan3A_100 = %scan3A_91) -> (i32)  : i32 {
        %mul3A_101 = arith.constant 16 : i32
        %mul3A_102 = arith.muli %scan3A_99, %mul3A_101 : i32
        %multiple_of3A = tpu.assume_multiple %mul3A_102, 16 : i32
        %swap3A_103 = arith.index_cast %scan3A_89 : i32 to index
        %swap3A_104 = arith.index_cast %multiple_of3A : i32 to index
        %swap3A_105 = tpu.vector_load %arg10[%swap3A_103, %swap3A_104] {strides = array<i32>} : memref<128x128xf32, #tpu.memory_space<vmem>>, vector<1x16xf32>,
        %swap3A_106 = vector.shape_cast %swap3A_105 : vector<1x16xf32> to vector<16xf32>
        %swap3A_107 = vector.shape_cast %broadcast_in_dim3A_1 : vector<16xf32> to vector<1x16xf32>
        tpu.vector_store %arg10[%swap3A_103, %swap3A_104], %swap3A_107 {strides = array<i32>} : memref<128x128xf32, #tpu.memory_space<vmem>>, vector<1x16xf32>,
        %scan3A_108 = arith.constant 0 : i32
        scf.yield %scan3A_108 : i32
      }
      %scan3A_97 = arith.constant 8 : i32
      %scan3A_98 = arith.constant 0 : i32
      scf.yield %scan3A_98 : i32
    }
    %scan3A_9 = arith.constant 128 : i32
    %scan3A_10 = arith.constant 0 : i32
    %scan3A_11 = arith.constant 0 : i32
    %scan3A_12 = arith.constant 8 : i32
    %scan3A_13 = arith.addi %scan3A_11, %scan3A_12 : i32
    %scan3A_14 = arith.constant 1 : i32
    %scan3A_15 = scf.for %scan3A_89 = %scan3A_11 to %scan3A_13 step %scan3A_14 iter_args(%scan3A_90 = %scan3A_10) -> (i32)  : i32 {
      %mul3A_91 = arith.constant 16 : i32
      %mul3A_92 = arith.muli %scan3A_89, %mul3A_91 : i32
      %multiple_of3A = tpu.assume_multiple %mul3A_92, 16 : i32
      %swap3A_93 = arith.index_cast %multiple_of3A : i32 to index
      %swap3A_94 = tpu.vector_load %arg8[%swap3A_93] {strides = array<i32>} : memref<128xf32, #tpu.memory_space<vmem>>, vector<16xf32>,
      %swap3A_95 = vector.shape_cast %swap3A_94 : vector<16xf32> to vector<16xf32>
      %swap3A_96 = vector.shape_cast %broadcast_in_dim3A_3 : vector<16xf32> to vector<16xf32>
      tpu.vector_store %arg8[%swap3A_93], %swap3A_96 {strides = array<i32>} : memref<128xf32, #tpu.memory_space<vmem>>, vector<16xf32>,
      %scan3A_97 = arith.constant 0 : i32
      scf.yield %scan3A_97 : i32
    }
    %scan3A_16 = arith.constant 8 : i32
    %scan3A_17 = arith.constant 0 : i32
    %scan3A_18 = arith.constant 0 : i32
    %scan3A_19 = arith.constant 39 : i32
    %scan3A_20 = arith.addi %scan3A_18, %scan3A_19 : i32
    %scan3A_21 = arith.constant 1 : i32
    %scan3A_22 = scf.for %scan3A_89 = %scan3A_18 to %scan3A_20 step %scan3A_21 iter_args(%scan3A_90 = %scan3A_17) -> (i32)  : i32 {
      %mul3A_91 = arith.constant 16 : i32
      %mul3A_92 = arith.muli %scan3A_89, %mul3A_91 : i32
      %multiple_of3A = tpu.assume_multiple %mul3A_92, 16 : i32
      %swap3A_93 = arith.index_cast %multiple_of3A : i32 to index
      %swap3A_94 = tpu.vector_load %arg9[%swap3A_93] {strides = array<i32>} : memref<632xf32, #tpu.memory_space<vmem>>, vector<16xf32>,
      %swap3A_95 = vector.shape_cast %swap3A_94 : vector<16xf32> to vector<16xf32>
      %swap3A_96 = vector.shape_cast %broadcast_in_dim3A_1 : vector<16xf32> to vector<16xf32>
      tpu.vector_store %arg9[%swap3A_93], %swap3A_96 {strides = array<i32>} : memref<632xf32, #tpu.memory_space<vmem>>, vector<16xf32>,
      %scan3A_97 = arith.constant 0 : i32
      scf.yield %scan3A_97 : i32
    }
    %scan3A_23 = arith.constant 39 : i32
    %swap3A = arith.constant 616 : index
    %swap3A_24 = tpu.vector_load %arg9[%swap3A] {strides = array<i32>} : memref<632xf32, #tpu.memory_space<vmem>>, vector<16xf32>,
    %swap3A_25 = vector.shape_cast %swap3A_24 : vector<16xf32> to vector<16xf32>
    %swap3A_26 = vector.shape_cast %broadcast_in_dim3A_1 : vector<16xf32> to vector<16xf32>
    tpu.vector_store %arg9[%swap3A], %swap3A_26 {strides = array<i32>} : memref<632xf32, #tpu.memory_space<vmem>>, vector<16xf32>,
    %add3A = arith.constant 0 : i32
    %add3A_27 = arith.addi %mul3A_0, %add3A : i32
    "tpu.region"() ({
      %run_scoped3A = tpu.sem_alloc : memref<!tpu.dma_semaphore, #tpu.memory_space<semaphore_mem>>
      %dma_start3A_89 = arith.constant 0 : i32
      %dma_start3A_90 = tpu.memref_slice %arg12[%add3A_27, %dma_start3A_89] : memref<10112x128xf32, #tpu.memory_space<vmem_shared>> -> memref<128x128xf32, #tpu.memory_space<vmem_shared>>
      %dma_start3A_91 = arith.constant 0 : i32
      %dma_start3A_92 = tpu.memref_slice %arg12[%add3A_27, %dma_start3A_91] : memref<10112x128xf32, #tpu.memory_space<vmem_shared>> -> memref<128x128xf32, #tpu.memory_space<vmem_shared>>
      tpu.enqueue_dma source(%arg10 : memref<128x128xf32, #tpu.memory_space<vmem>>) target(%dma_start3A_92 : memref<128x128xf32, #tpu.memory_space<vmem_shared>>) target_semaphore(%run_scoped3A : memref<!tpu.dma_semaphore, #tpu.memory_space<semaphore_mem>>)
      %dma_wait3A_93 = arith.constant 0 : i32
      %dma_wait3A_94 = tpu.memref_slice %arg12[%add3A_27, %dma_wait3A_93] : memref<10112x128xf32, #tpu.memory_space<vmem_shared>> -> memref<128x128xf32, #tpu.memory_space<vmem_shared>>
      %dma_wait3A_95 = arith.constant 0 : i32
      %dma_wait3A_96 = tpu.memref_slice %arg12[%add3A_27, %dma_wait3A_95] : memref<10112x128xf32, #tpu.memory_space<vmem_shared>> -> memref<128x128xf32, #tpu.memory_space<vmem_shared>>
      tpu.wait_dma2 semaphore(%run_scoped3A : memref<!tpu.dma_semaphore, #tpu.memory_space<semaphore_mem>>) src(%arg10 : memref<128x128xf32, #tpu.memory_space<vmem>>) dst(%dma_wait3A_96 : memref<128x128xf32, #tpu.memory_space<vmem_shared>>)
      tpu.yield
    }) : () -> ()
    %add3A_28 = arith.constant 128 : i32
    %add3A_29 = arith.addi %mul3A_0, %add3A_28 : i32
    "tpu.region"() ({
      %run_scoped3A = tpu.sem_alloc : memref<!tpu.dma_semaphore, #tpu.memory_space<semaphore_mem>>
      %dma_start3A_89 = arith.constant 0 : i32
      %dma_start3A_90 = tpu.memref_slice %arg12[%add3A_29, %dma_start3A_89] : memref<10112x128xf32, #tpu.memory_space<vmem_shared>> -> memref<128x128xf32, #tpu.memory_space<vmem_shared>>
      %dma_start3A_91 = arith.constant 0 : i32
      %dma_start3A_92 = tpu.memref_slice %arg12[%add3A_29, %dma_start3A_91] : memref<10112x128xf32, #tpu.memory_space<vmem_shared>> -> memref<128x128xf32, #tpu.memory_space<vmem_shared>>
      tpu.enqueue_dma source(%arg10 : memref<128x128xf32, #tpu.memory_space<vmem>>) target(%dma_start3A_92 : memref<128x128xf32, #tpu.memory_space<vmem_shared>>) target_semaphore(%run_scoped3A : memref<!tpu.dma_semaphore, #tpu.memory_space<semaphore_mem>>)
      %dma_wait3A_93 = arith.constant 0 : i32
      %dma_wait3A_94 = tpu.memref_slice %arg12[%add3A_29, %dma_wait3A_93] : memref<10112x128xf32, #tpu.memory_space<vmem_shared>> -> memref<128x128xf32, #tpu.memory_space<vmem_shared>>
      %dma_wait3A_95 = arith.constant 0 : i32
      %dma_wait3A_96 = tpu.memref_slice %arg12[%add3A_29, %dma_wait3A_95] : memref<10112x128xf32, #tpu.memory_space<vmem_shared>> -> memref<128x128xf32, #tpu.memory_space<vmem_shared>>
      tpu.wait_dma2 semaphore(%run_scoped3A : memref<!tpu.dma_semaphore, #tpu.memory_space<semaphore_mem>>) src(%arg10 : memref<128x128xf32, #tpu.memory_space<vmem>>) dst(%dma_wait3A_96 : memref<128x128xf32, #tpu.memory_space<vmem_shared>>)
      tpu.yield
    }) : () -> ()
    %add3A_30 = arith.constant 256 : i32
    %add3A_31 = arith.addi %mul3A_0, %add3A_30 : i32
    "tpu.region"() ({
      %run_scoped3A = tpu.sem_alloc : memref<!tpu.dma_semaphore, #tpu.memory_space<semaphore_mem>>
      %dma_start3A_89 = arith.constant 0 : i32
      %dma_start3A_90 = tpu.memref_slice %arg12[%add3A_31, %dma_start3A_89] : memref<10112x128xf32, #tpu.memory_space<vmem_shared>> -> memref<128x128xf32, #tpu.memory_space<vmem_shared>>
      %dma_start3A_91 = arith.constant 0 : i32
      %dma_start3A_92 = tpu.memref_slice %arg12[%add3A_31, %dma_start3A_91] : memref<10112x128xf32, #tpu.memory_space<vmem_shared>> -> memref<128x128xf32, #tpu.memory_space<vmem_shared>>
      tpu.enqueue_dma source(%arg10 : memref<128x128xf32, #tpu.memory_space<vmem>>) target(%dma_start3A_92 : memref<128x128xf32, #tpu.memory_space<vmem_shared>>) target_semaphore(%run_scoped3A : memref<!tpu.dma_semaphore, #tpu.memory_space<semaphore_mem>>)
      %dma_wait3A_93 = arith.constant 0 : i32
      %dma_wait3A_94 = tpu.memref_slice %arg12[%add3A_31, %dma_wait3A_93] : memref<10112x128xf32, #tpu.memory_space<vmem_shared>> -> memref<128x128xf32, #tpu.memory_space<vmem_shared>>
      %dma_wait3A_95 = arith.constant 0 : i32
      %dma_wait3A_96 = tpu.memref_slice %arg12[%add3A_31, %dma_wait3A_95] : memref<10112x128xf32, #tpu.memory_space<vmem_shared>> -> memref<128x128xf32, #tpu.memory_space<vmem_shared>>
      tpu.wait_dma2 semaphore(%run_scoped3A : memref<!tpu.dma_semaphore, #tpu.memory_space<semaphore_mem>>) src(%arg10 : memref<128x128xf32, #tpu.memory_space<vmem>>) dst(%dma_wait3A_96 : memref<128x128xf32, #tpu.memory_space<vmem_shared>>)
      tpu.yield
    }) : () -> ()
    %add3A_32 = arith.constant 384 : i32
    %add3A_33 = arith.addi %mul3A_0, %add3A_32 : i32
    "tpu.region"() ({
      %run_scoped3A = tpu.sem_alloc : memref<!tpu.dma_semaphore, #tpu.memory_space<semaphore_mem>>
      %dma_start3A_89 = arith.constant 0 : i32
      %dma_start3A_90 = tpu.memref_slice %arg12[%add3A_33, %dma_start3A_89] : memref<10112x128xf32, #tpu.memory_space<vmem_shared>> -> memref<128x128xf32, #tpu.memory_space<vmem_shared>>
      %dma_start3A_91 = arith.constant 0 : i32
      %dma_start3A_92 = tpu.memref_slice %arg12[%add3A_33, %dma_start3A_91] : memref<10112x128xf32, #tpu.memory_space<vmem_shared>> -> memref<128x128xf32, #tpu.memory_space<vmem_shared>>
      tpu.enqueue_dma source(%arg10 : memref<128x128xf32, #tpu.memory_space<vmem>>) target(%dma_start3A_92 : memref<128x128xf32, #tpu.memory_space<vmem_shared>>) target_semaphore(%run_scoped3A : memref<!tpu.dma_semaphore, #tpu.memory_space<semaphore_mem>>)
      %dma_wait3A_93 = arith.constant 0 : i32
      %dma_wait3A_94 = tpu.memref_slice %arg12[%add3A_33, %dma_wait3A_93] : memref<10112x128xf32, #tpu.memory_space<vmem_shared>> -> memref<128x128xf32, #tpu.memory_space<vmem_shared>>
      %dma_wait3A_95 = arith.constant 0 : i32
      %dma_wait3A_96 = tpu.memref_slice %arg12[%add3A_33, %dma_wait3A_95] : memref<10112x128xf32, #tpu.memory_space<vmem_shared>> -> memref<128x128xf32, #tpu.memory_space<vmem_shared>>
      tpu.wait_dma2 semaphore(%run_scoped3A : memref<!tpu.dma_semaphore, #tpu.memory_space<semaphore_mem>>) src(%arg10 : memref<128x128xf32, #tpu.memory_space<vmem>>) dst(%dma_wait3A_96 : memref<128x128xf32, #tpu.memory_space<vmem_shared>>)
      tpu.yield
    }) : () -> ()
    %add3A_34 = arith.constant 512 : i32
    %add3A_35 = arith.addi %mul3A_0, %add3A_34 : i32
    "tpu.region"() ({
      %run_scoped3A = tpu.sem_alloc : memref<!tpu.dma_semaphore, #tpu.memory_space<semaphore_mem>>
      %dma_start3A_89 = arith.constant 0 : i32
      %dma_start3A_90 = arith.constant 0 : i32
      %dma_start3A_91 = tpu.memref_slice %arg10[%dma_start3A_89, %dma_start3A_90] : memref<128x128xf32, #tpu.memory_space<vmem>> -> memref<120x128xf32, #tpu.memory_space<vmem>>
      %dma_start3A_92 = arith.constant 0 : i32
      %dma_start3A_93 = tpu.memref_slice %arg12[%add3A_35, %dma_start3A_92] : memref<10112x128xf32, #tpu.memory_space<vmem_shared>> -> memref<120x128xf32, #tpu.memory_space<vmem_shared>>
      %dma_start3A_94 = arith.constant 0 : i32
      %dma_start3A_95 = tpu.memref_slice %arg12[%add3A_35, %dma_start3A_94] : memref<10112x128xf32, #tpu.memory_space<vmem_shared>> -> memref<120x128xf32, #tpu.memory_space<vmem_shared>>
      %dma_start3A_96 = arith.constant 0 : i32
      %dma_start3A_97 = arith.constant 0 : i32
      %dma_start3A_98 = tpu.memref_slice %arg10[%dma_start3A_96, %dma_start3A_97] : memref<128x128xf32, #tpu.memory_space<vmem>> -> memref<120x128xf32, #tpu.memory_space<vmem>>
      tpu.enqueue_dma source(%dma_start3A_98 : memref<120x128xf32, #tpu.memory_space<vmem>>) target(%dma_start3A_95 : memref<120x128xf32, #tpu.memory_space<vmem_shared>>) target_semaphore(%run_scoped3A : memref<!tpu.dma_semaphore, #tpu.memory_space<semaphore_mem>>)
      %dma_wait3A_99 = arith.constant 0 : i32
      %dma_wait3A_100 = arith.constant 0 : i32
      %dma_wait3A_101 = tpu.memref_slice %arg10[%dma_wait3A_99, %dma_wait3A_100] : memref<128x128xf32, #tpu.memory_space<vmem>> -> memref<120x128xf32, #tpu.memory_space<vmem>>
      %dma_wait3A_102 = arith.constant 0 : i32
      %dma_wait3A_103 = tpu.memref_slice %arg12[%add3A_35, %dma_wait3A_102] : memref<10112x128xf32, #tpu.memory_space<vmem_shared>> -> memref<120x128xf32, #tpu.memory_space<vmem_shared>>
      %dma_wait3A_104 = arith.constant 0 : i32
      %dma_wait3A_105 = tpu.memref_slice %arg12[%add3A_35, %dma_wait3A_104] : memref<10112x128xf32, #tpu.memory_space<vmem_shared>> -> memref<120x128xf32, #tpu.memory_space<vmem_shared>>
      %dma_wait3A_106 = arith.constant 0 : i32
      %dma_wait3A_107 = arith.constant 0 : i32
      %dma_wait3A_108 = tpu.memref_slice %arg10[%dma_wait3A_106, %dma_wait3A_107] : memref<128x128xf32, #tpu.memory_space<vmem>> -> memref<120x128xf32, #tpu.memory_space<vmem>>
      tpu.wait_dma2 semaphore(%run_scoped3A : memref<!tpu.dma_semaphore, #tpu.memory_space<semaphore_mem>>) src(%dma_wait3A_108 : memref<120x128xf32, #tpu.memory_space<vmem>>) dst(%dma_wait3A_105 : memref<120x128xf32, #tpu.memory_space<vmem_shared>>)
      tpu.yield
    }) : () -> ()
    %eq3A = arith.constant 0 : i32
    %eq3A_36 = arith.cmpi eq, %arg0, %eq3A : i32
    %convert_element_type3A = arith.extui %eq3A_36 : i1 to i32
    %cond3A = arith.constant 0 : i32
    %cond3A_37 = arith.cmpi ne, %convert_element_type3A, %cond3A : i32
    scf.if %cond3A_37 {
      "tpu.region"() ({
        %run_scoped3A = tpu.sem_alloc : memref<!tpu.dma_semaphore, #tpu.memory_space<semaphore_mem>>
        %dma_start3A_89 = tpu.memref_slice %arg13[%mul3A_0] : memref<10112xf32, #tpu.memory_space<vmem_shared>> -> memref<632xf32, #tpu.memory_space<vmem_shared>>
        %dma_start3A_90 = tpu.memref_slice %arg13[%mul3A_0] : memref<10112xf32, #tpu.memory_space<vmem_shared>> -> memref<632xf32, #tpu.memory_space<vmem_shared>>
        tpu.enqueue_dma source(%arg9 : memref<632xf32, #tpu.memory_space<vmem>>) target(%dma_start3A_90 : memref<632xf32, #tpu.memory_space<vmem_shared>>) target_semaphore(%run_scoped3A : memref<!tpu.dma_semaphore, #tpu.memory_space<semaphore_mem>>)
        %dma_wait3A_91 = tpu.memref_slice %arg13[%mul3A_0] : memref<10112xf32, #tpu.memory_space<vmem_shared>> -> memref<632xf32, #tpu.memory_space<vmem_shared>>
        %dma_wait3A_92 = tpu.memref_slice %arg13[%mul3A_0] : memref<10112xf32, #tpu.memory_space<vmem_shared>> -> memref<632xf32, #tpu.memory_space<vmem_shared>>
        tpu.wait_dma2 semaphore(%run_scoped3A : memref<!tpu.dma_semaphore, #tpu.memory_space<semaphore_mem>>) src(%arg9 : memref<632xf32, #tpu.memory_space<vmem>>) dst(%dma_wait3A_92 : memref<632xf32, #tpu.memory_space<vmem_shared>>)
        tpu.yield
      }) : () -> ()
    } else {
    }
    %barrier3A = arith.constant 0 : index
    tpu.barrier barrier_id(%barrier3A)
    %mul3A_38 = arith.constant 16 : i32
    %mul3A_39 = arith.muli %arg0, %mul3A_38 : i32
    %add3A_40 = arith.addi %mul3A_39, %arg1 : i32
    %mul3A_41 = arith.constant 80 : i32
    %mul3A_42 = arith.muli %add3A_40, %mul3A_41 : i32
    %add3A_43 = arith.constant 0 : i32
    %add3A_44 = arith.addi %mul3A_42, %add3A_43 : i32
    %dma_start3A = arith.constant 0 : i32
    %dma_start3A_45 = arith.constant 0 : i32
    %dma_start3A_46 = tpu.memref_slice %arg3[%add3A_44, %dma_start3A, %dma_start3A_45] : memref<2560x2x128xi32, #tpu.memory_space<hbm>> -> memref<1x2x128xi32, #tpu.memory_space<hbm>>
    %dma_start3A_47 = tpu.memref_squeeze %dma_start3A_46 : memref<1x2x128xi32, #tpu.memory_space<hbm>> -> memref<2x128xi32, #tpu.memory_space<hbm>>
    %dma_start3A_48 = arith.constant 0 : i32
    %dma_start3A_49 = arith.constant 0 : i32
    %dma_start3A_50 = tpu.memref_slice %arg3[%add3A_44, %dma_start3A_48, %dma_start3A_49] : memref<2560x2x128xi32, #tpu.memory_space<hbm>> -> memref<1x2x128xi32, #tpu.memory_space<hbm>>
    %dma_start3A_51 = tpu.memref_squeeze %dma_start3A_50 : memref<1x2x128xi32, #tpu.memory_space<hbm>> -> memref<2x128xi32, #tpu.memory_space<hbm>>
    tpu.enqueue_dma source(%dma_start3A_51 : memref<2x128xi32, #tpu.memory_space<hbm>>) target(%arg6 : memref<2x128xi32, #tpu.memory_space<vmem>>) target_semaphore(%arg16 : memref<!tpu.dma_semaphore, #tpu.memory_space<semaphore_mem>>)
    %add3A_52 = arith.constant 1 : i32
    %add3A_53 = arith.addi %mul3A_42, %add3A_52 : i32
    %dma_start3A_54 = arith.constant 0 : i32
    %dma_start3A_55 = arith.constant 0 : i32
    %dma_start3A_56 = tpu.memref_slice %arg3[%add3A_53, %dma_start3A_54, %dma_start3A_55] : memref<2560x2x128xi32, #tpu.memory_space<hbm>> -> memref<1x2x128xi32, #tpu.memory_space<hbm>>
    %dma_start3A_57 = tpu.memref_squeeze %dma_start3A_56 : memref<1x2x128xi32, #tpu.memory_space<hbm>> -> memref<2x128xi32, #tpu.memory_space<hbm>>
    %dma_start3A_58 = arith.constant 0 : i32
    %dma_start3A_59 = arith.constant 0 : i32
    %dma_start3A_60 = tpu.memref_slice %arg3[%add3A_53, %dma_start3A_58, %dma_start3A_59] : memref<2560x2x128xi32, #tpu.memory_space<hbm>> -> memref<1x2x128xi32, #tpu.memory_space<hbm>>
    %dma_start3A_61 = tpu.memref_squeeze %dma_start3A_60 : memref<1x2x128xi32, #tpu.memory_space<hbm>> -> memref<2x128xi32, #tpu.memory_space<hbm>>
    tpu.enqueue_dma source(%dma_start3A_61 : memref<2x128xi32, #tpu.memory_space<hbm>>) target(%arg7 : memref<2x128xi32, #tpu.memory_space<vmem>>) target_semaphore(%arg17 : memref<!tpu.dma_semaphore, #tpu.memory_space<semaphore_mem>>)
    %dma_wait3A = arith.constant 0 : i32
    %dma_wait3A_62 = arith.constant 0 : i32
    %dma_wait3A_63 = tpu.memref_slice %arg3[%mul3A_42, %dma_wait3A, %dma_wait3A_62] : memref<2560x2x128xi32, #tpu.memory_space<hbm>> -> memref<1x2x128xi32, #tpu.memory_space<hbm>>
    %dma_wait3A_64 = tpu.memref_squeeze %dma_wait3A_63 : memref<1x2x128xi32, #tpu.memory_space<hbm>> -> memref<2x128xi32, #tpu.memory_space<hbm>>
    %dma_wait3A_65 = arith.constant 0 : i32
    %dma_wait3A_66 = arith.constant 0 : i32
    %dma_wait3A_67 = tpu.memref_slice %arg3[%mul3A_42, %dma_wait3A_65, %dma_wait3A_66] : memref<2560x2x128xi32, #tpu.memory_space<hbm>> -> memref<1x2x128xi32, #tpu.memory_space<hbm>>
    %dma_wait3A_68 = tpu.memref_squeeze %dma_wait3A_67 : memref<1x2x128xi32, #tpu.memory_space<hbm>> -> memref<2x128xi32, #tpu.memory_space<hbm>>
    tpu.wait_dma2 semaphore(%arg16 : memref<!tpu.dma_semaphore, #tpu.memory_space<semaphore_mem>>) src(%dma_wait3A_68 : memref<2x128xi32, #tpu.memory_space<hbm>>) dst(%arg6 : memref<2x128xi32, #tpu.memory_space<vmem>>)
    %dma_start3A_69 = arith.constant 0 : i32
    %dma_start3A_70 = arith.constant 0 : i32
    %dma_start3A_71 = tpu.memref_slice %arg6[%dma_start3A_69, %dma_start3A_70] : memref<2x128xi32, #tpu.memory_space<vmem>> -> memref<1x128xi32, #tpu.memory_space<vmem>>
    %dma_start3A_72 = tpu.memref_squeeze %dma_start3A_71 : memref<1x128xi32, #tpu.memory_space<vmem>> -> memref<128xi32, #tpu.memory_space<vmem>>
    %dma_start3A_73 = arith.constant 0 : i32
    %dma_start3A_74 = arith.constant 0 : i32
    %dma_start3A_75 = tpu.memref_slice %arg2[%dma_start3A_73, %dma_start3A_74] : memref<20000x128xf32, #tpu.memory_space<hbm>> -> memref<20000x128xf32, #tpu.memory_space<hbm>>
    tpu.enqueue_indirect_dma source(%dma_start3A_75 : memref<20000x128xf32, #tpu.memory_space<hbm>>) target(%arg10 : memref<128x128xf32, #tpu.memory_space<vmem>>) offsets(%dma_start3A_72 : memref<128xi32, #tpu.memory_space<vmem>>) semaphore(%arg14 : memref<!tpu.dma_semaphore, #tpu.memory_space<semaphore_mem>>)
    %scan3A_76 = arith.constant 0 : i32
    %scan3A_77 = arith.constant 0 : i32
    %scan3A_78 = arith.constant 40 : i32
    %scan3A_79 = arith.addi %scan3A_77, %scan3A_78 : i32
    %scan3A_80 = arith.constant 1 : i32
    %scan3A_81 = scf.for %scan3A_89 = %scan3A_77 to %scan3A_79 step %scan3A_80 iter_args(%scan3A_90 = %scan3A_76) -> (i32)  : i32 {
      %mul3A_91 = arith.constant 2 : i32
      %mul3A_92 = arith.muli %scan3A_89, %mul3A_91 : i32
      %add3A_93 = arith.constant 0 : i32
      %add3A_94 = arith.addi %mul3A_92, %add3A_93 : i32
      %dma_wait3A_95 = arith.constant 0 : i32
      %dma_wait3A_96 = arith.constant 0 : i32
      %dma_wait3A_97 = tpu.memref_slice %arg6[%dma_wait3A_95, %dma_wait3A_96] : memref<2x128xi32, #tpu.memory_space<vmem>> -> memref<1x128xi32, #tpu.memory_space<vmem>>
      %dma_wait3A_98 = tpu.memref_squeeze %dma_wait3A_97 : memref<1x128xi32, #tpu.memory_space<vmem>> -> memref<128xi32, #tpu.memory_space<vmem>>
      %dma_wait3A_99 = arith.constant 0 : i32
      %dma_wait3A_100 = arith.constant 0 : i32
      %dma_wait3A_101 = tpu.memref_slice %arg2[%dma_wait3A_99, %dma_wait3A_100] : memref<20000x128xf32, #tpu.memory_space<hbm>> -> memref<20000x128xf32, #tpu.memory_space<hbm>>
      tpu.wait_indirect_dma semaphore(%arg14 : memref<!tpu.dma_semaphore, #tpu.memory_space<semaphore_mem>>) src(%dma_wait3A_101 : memref<20000x128xf32, #tpu.memory_space<hbm>>) dst(%arg10 : memref<128x128xf32, #tpu.memory_space<vmem>>)
      %run_scoped3A = arith.constant 1 : i32
      "tpu.region"() ({
        %run_scoped3A_162 = tpu.sem_alloc : memref<!tpu.dma_semaphore, #tpu.memory_space<semaphore_mem>>
        %dma_start3A_163 = arith.constant 0 : i32
        %dma_start3A_164 = tpu.memref_slice %arg6[%run_scoped3A, %dma_start3A_163] : memref<2x128xi32, #tpu.memory_space<vmem>> -> memref<1x128xi32, #tpu.memory_space<vmem>>
        %dma_start3A_165 = tpu.memref_squeeze %dma_start3A_164 : memref<1x128xi32, #tpu.memory_space<vmem>> -> memref<128xi32, #tpu.memory_space<vmem>>
        %dma_start3A_166 = arith.constant 0 : i32
        %dma_start3A_167 = arith.constant 0 : i32
        %dma_start3A_168 = tpu.memref_slice %arg12[%dma_start3A_166, %dma_start3A_167] : memref<10112x128xf32, #tpu.memory_space<vmem_shared>> -> memref<10112x128xf32, #tpu.memory_space<vmem_shared>>
        tpu.enqueue_indirect_dma source(%arg10 : memref<128x128xf32, #tpu.memory_space<vmem>>) target(%dma_start3A_168 : memref<10112x128xf32, #tpu.memory_space<vmem_shared>>) offsets(%dma_start3A_165 : memref<128xi32, #tpu.memory_space<vmem>>) semaphore(%run_scoped3A_162 : memref<!tpu.dma_semaphore, #tpu.memory_space<semaphore_mem>>) {add = true}
        %dma_wait3A_169 = arith.constant 0 : i32
        %dma_wait3A_170 = tpu.memref_slice %arg6[%run_scoped3A, %dma_wait3A_169] : memref<2x128xi32, #tpu.memory_space<vmem>> -> memref<1x128xi32, #tpu.memory_space<vmem>>
        %dma_wait3A_171 = tpu.memref_squeeze %dma_wait3A_170 : memref<1x128xi32, #tpu.memory_space<vmem>> -> memref<128xi32, #tpu.memory_space<vmem>>
        %dma_wait3A_172 = arith.constant 0 : i32
        %dma_wait3A_173 = arith.constant 0 : i32
        %dma_wait3A_174 = tpu.memref_slice %arg12[%dma_wait3A_172, %dma_wait3A_173] : memref<10112x128xf32, #tpu.memory_space<vmem_shared>> -> memref<10112x128xf32, #tpu.memory_space<vmem_shared>>
        tpu.wait_indirect_dma semaphore(%run_scoped3A_162 : memref<!tpu.dma_semaphore, #tpu.memory_space<semaphore_mem>>) src(%arg10 : memref<128x128xf32, #tpu.memory_space<vmem>>) dst(%dma_wait3A_174 : memref<10112x128xf32, #tpu.memory_space<vmem_shared>>)
        tpu.yield
      }) : () -> ()
      %eq3A_102 = arith.constant 0 : i32
      %eq3A_103 = arith.cmpi eq, %arg0, %eq3A_102 : i32
      %convert_element_type3A_104 = arith.extui %eq3A_103 : i1 to i32
      %cond3A_105 = arith.constant 0 : i32
      %cond3A_106 = arith.cmpi ne, %convert_element_type3A_104, %cond3A_105 : i32
      scf.if %cond3A_106 {
        %dma_start3A_162 = arith.constant 1 : i32
        %dma_start3A_163 = arith.constant 0 : i32
        %dma_start3A_164 = tpu.memref_slice %arg6[%dma_start3A_162, %dma_start3A_163] : memref<2x128xi32, #tpu.memory_space<vmem>> -> memref<1x128xi32, #tpu.memory_space<vmem>>
        %dma_start3A_165 = tpu.memref_squeeze %dma_start3A_164 : memref<1x128xi32, #tpu.memory_space<vmem>> -> memref<128xi32, #tpu.memory_space<vmem>>
        %dma_start3A_166 = arith.constant 0 : i32
        %dma_start3A_167 = tpu.memref_slice %arg13[%dma_start3A_166] : memref<10112xf32, #tpu.memory_space<vmem_shared>> -> memref<10112xf32, #tpu.memory_space<vmem_shared>>
        tpu.enqueue_indirect_dma source(%arg8 : memref<128xf32, #tpu.memory_space<vmem>>) target(%dma_start3A_167 : memref<10112xf32, #tpu.memory_space<vmem_shared>>) offsets(%dma_start3A_165 : memref<128xi32, #tpu.memory_space<vmem>>) semaphore(%arg18 : memref<!tpu.dma_semaphore, #tpu.memory_space<semaphore_mem>>) {add = true}
      } else {
      }
      %add3A_107 = arith.constant 1 : i32
      %add3A_108 = arith.addi %add3A_94, %add3A_107 : i32
      %lt3A = arith.constant 80 : i32
      %lt3A_109 = arith.cmpi slt, %add3A_108, %lt3A : i32
      %convert_element_type3A_110 = arith.extui %lt3A_109 : i1 to i32
      %cond3A_111 = arith.constant 0 : i32
      %cond3A_112 = arith.cmpi ne, %convert_element_type3A_110, %cond3A_111 : i32
      scf.if %cond3A_112 {
        %add3A_162 = arith.addi %mul3A_42, %add3A_94 : i32
        %add3A_163 = arith.constant 1 : i32
        %add3A_164 = arith.addi %add3A_162, %add3A_163 : i32
        %dma_wait3A_165 = arith.constant 0 : i32
        %dma_wait3A_166 = arith.constant 0 : i32
        %dma_wait3A_167 = tpu.memref_slice %arg3[%add3A_164, %dma_wait3A_165, %dma_wait3A_166] : memref<2560x2x128xi32, #tpu.memory_space<hbm>> -> memref<1x2x128xi32, #tpu.memory_space<hbm>>
        %dma_wait3A_168 = tpu.memref_squeeze %dma_wait3A_167 : memref<1x2x128xi32, #tpu.memory_space<hbm>> -> memref<2x128xi32, #tpu.memory_space<hbm>>
        %dma_wait3A_169 = arith.constant 0 : i32
        %dma_wait3A_170 = arith.constant 0 : i32
        %dma_wait3A_171 = tpu.memref_slice %arg3[%add3A_164, %dma_wait3A_169, %dma_wait3A_170] : memref<2560x2x128xi32, #tpu.memory_space<hbm>> -> memref<1x2x128xi32, #tpu.memory_space<hbm>>
        %dma_wait3A_172 = tpu.memref_squeeze %dma_wait3A_171 : memref<1x2x128xi32, #tpu.memory_space<hbm>> -> memref<2x128xi32, #tpu.memory_space<hbm>>
        tpu.wait_dma2 semaphore(%arg17 : memref<!tpu.dma_semaphore, #tpu.memory_space<semaphore_mem>>) src(%dma_wait3A_172 : memref<2x128xi32, #tpu.memory_space<hbm>>) dst(%arg7 : memref<2x128xi32, #tpu.memory_space<vmem>>)
        %dma_start3A_173 = arith.constant 0 : i32
        %dma_start3A_174 = arith.constant 0 : i32
        %dma_start3A_175 = tpu.memref_slice %arg7[%dma_start3A_173, %dma_start3A_174] : memref<2x128xi32, #tpu.memory_space<vmem>> -> memref<1x128xi32, #tpu.memory_space<vmem>>
        %dma_start3A_176 = tpu.memref_squeeze %dma_start3A_175 : memref<1x128xi32, #tpu.memory_space<vmem>> -> memref<128xi32, #tpu.memory_space<vmem>>
        %dma_start3A_177 = arith.constant 0 : i32
        %dma_start3A_178 = arith.constant 0 : i32
        %dma_start3A_179 = tpu.memref_slice %arg2[%dma_start3A_177, %dma_start3A_178] : memref<20000x128xf32, #tpu.memory_space<hbm>> -> memref<20000x128xf32, #tpu.memory_space<hbm>>
        tpu.enqueue_indirect_dma source(%dma_start3A_179 : memref<20000x128xf32, #tpu.memory_space<hbm>>) target(%arg11 : memref<128x128xf32, #tpu.memory_space<vmem>>) offsets(%dma_start3A_176 : memref<128xi32, #tpu.memory_space<vmem>>) semaphore(%arg15 : memref<!tpu.dma_semaphore, #tpu.memory_space<semaphore_mem>>)
      } else {
      }
      %eq3A_113 = arith.constant 0 : i32
      %eq3A_114 = arith.cmpi eq, %arg0, %eq3A_113 : i32
      %convert_element_type3A_115 = arith.extui %eq3A_114 : i1 to i32
      %cond3A_116 = arith.constant 0 : i32
      %cond3A_117 = arith.cmpi ne, %convert_element_type3A_115, %cond3A_116 : i32
      scf.if %cond3A_117 {
        %dma_wait3A_162 = arith.constant 1 : i32
        %dma_wait3A_163 = arith.constant 0 : i32
        %dma_wait3A_164 = tpu.memref_slice %arg6[%dma_wait3A_162, %dma_wait3A_163] : memref<2x128xi32, #tpu.memory_space<vmem>> -> memref<1x128xi32, #tpu.memory_space<vmem>>
        %dma_wait3A_165 = tpu.memref_squeeze %dma_wait3A_164 : memref<1x128xi32, #tpu.memory_space<vmem>> -> memref<128xi32, #tpu.memory_space<vmem>>
        %dma_wait3A_166 = arith.constant 0 : i32
        %dma_wait3A_167 = tpu.memref_slice %arg13[%dma_wait3A_166] : memref<10112xf32, #tpu.memory_space<vmem_shared>> -> memref<10112xf32, #tpu.memory_space<vmem_shared>>
        tpu.wait_indirect_dma semaphore(%arg18 : memref<!tpu.dma_semaphore, #tpu.memory_space<semaphore_mem>>) src(%arg8 : memref<128xf32, #tpu.memory_space<vmem>>) dst(%dma_wait3A_167 : memref<10112xf32, #tpu.memory_space<vmem_shared>>)
      } else {
      }
      %add3A_118 = arith.constant 2 : i32
      %add3A_119 = arith.addi %add3A_94, %add3A_118 : i32
      %lt3A_120 = arith.constant 80 : i32
      %lt3A_121 = arith.cmpi slt, %add3A_119, %lt3A_120 : i32
      %convert_element_type3A_122 = arith.extui %lt3A_121 : i1 to i32
      %cond3A_123 = arith.constant 0 : i32
      %cond3A_124 = arith.cmpi ne, %convert_element_type3A_122, %cond3A_123 : i32
      scf.if %cond3A_124 {
        %add3A_162 = arith.addi %mul3A_42, %add3A_94 : i32
        %add3A_163 = arith.constant 2 : i32
        %add3A_164 = arith.addi %add3A_162, %add3A_163 : i32
        %dma_start3A_165 = arith.constant 0 : i32
        %dma_start3A_166 = arith.constant 0 : i32
        %dma_start3A_167 = tpu.memref_slice %arg3[%add3A_164, %dma_start3A_165, %dma_start3A_166] : memref<2560x2x128xi32, #tpu.memory_space<hbm>> -> memref<1x2x128xi32, #tpu.memory_space<hbm>>
        %dma_start3A_168 = tpu.memref_squeeze %dma_start3A_167 : memref<1x2x128xi32, #tpu.memory_space<hbm>> -> memref<2x128xi32, #tpu.memory_space<hbm>>
        %dma_start3A_169 = arith.constant 0 : i32
        %dma_start3A_170 = arith.constant 0 : i32
        %dma_start3A_171 = tpu.memref_slice %arg3[%add3A_164, %dma_start3A_169, %dma_start3A_170] : memref<2560x2x128xi32, #tpu.memory_space<hbm>> -> memref<1x2x128xi32, #tpu.memory_space<hbm>>
        %dma_start3A_172 = tpu.memref_squeeze %dma_start3A_171 : memref<1x2x128xi32, #tpu.memory_space<hbm>> -> memref<2x128xi32, #tpu.memory_space<hbm>>
        tpu.enqueue_dma source(%dma_start3A_172 : memref<2x128xi32, #tpu.memory_space<hbm>>) target(%arg6 : memref<2x128xi32, #tpu.memory_space<vmem>>) target_semaphore(%arg16 : memref<!tpu.dma_semaphore, #tpu.memory_space<semaphore_mem>>)
      } else {
      }
      %mul3A_125 = arith.constant 2 : i32
      %mul3A_126 = arith.muli %scan3A_89, %mul3A_125 : i32
      %add3A_127 = arith.constant 1 : i32
      %add3A_128 = arith.addi %mul3A_126, %add3A_127 : i32
      %dma_wait3A_129 = arith.constant 0 : i32
      %dma_wait3A_130 = arith.constant 0 : i32
      %dma_wait3A_131 = tpu.memref_slice %arg7[%dma_wait3A_129, %dma_wait3A_130] : memref<2x128xi32, #tpu.memory_space<vmem>> -> memref<1x128xi32, #tpu.memory_space<vmem>>
      %dma_wait3A_132 = tpu.memref_squeeze %dma_wait3A_131 : memref<1x128xi32, #tpu.memory_space<vmem>> -> memref<128xi32, #tpu.memory_space<vmem>>
      %dma_wait3A_133 = arith.constant 0 : i32
      %dma_wait3A_134 = arith.constant 0 : i32
      %dma_wait3A_135 = tpu.memref_slice %arg2[%dma_wait3A_133, %dma_wait3A_134] : memref<20000x128xf32, #tpu.memory_space<hbm>> -> memref<20000x128xf32, #tpu.memory_space<hbm>>
      tpu.wait_indirect_dma semaphore(%arg15 : memref<!tpu.dma_semaphore, #tpu.memory_space<semaphore_mem>>) src(%dma_wait3A_135 : memref<20000x128xf32, #tpu.memory_space<hbm>>) dst(%arg11 : memref<128x128xf32, #tpu.memory_space<vmem>>)
      %run_scoped3A_136 = arith.constant 1 : i32
      "tpu.region"() ({
        %run_scoped3A_162 = tpu.sem_alloc : memref<!tpu.dma_semaphore, #tpu.memory_space<semaphore_mem>>
        %dma_start3A_163 = arith.constant 0 : i32
        %dma_start3A_164 = tpu.memref_slice %arg7[%run_scoped3A_136, %dma_start3A_163] : memref<2x128xi32, #tpu.memory_space<vmem>> -> memref<1x128xi32, #tpu.memory_space<vmem>>
        %dma_start3A_165 = tpu.memref_squeeze %dma_start3A_164 : memref<1x128xi32, #tpu.memory_space<vmem>> -> memref<128xi32, #tpu.memory_space<vmem>>
        %dma_start3A_166 = arith.constant 0 : i32
        %dma_start3A_167 = arith.constant 0 : i32
        %dma_start3A_168 = tpu.memref_slice %arg12[%dma_start3A_166, %dma_start3A_167] : memref<10112x128xf32, #tpu.memory_space<vmem_shared>> -> memref<10112x128xf32, #tpu.memory_space<vmem_shared>>
        tpu.enqueue_indirect_dma source(%arg11 : memref<128x128xf32, #tpu.memory_space<vmem>>) target(%dma_start3A_168 : memref<10112x128xf32, #tpu.memory_space<vmem_shared>>) offsets(%dma_start3A_165 : memref<128xi32, #tpu.memory_space<vmem>>) semaphore(%run_scoped3A_162 : memref<!tpu.dma_semaphore, #tpu.memory_space<semaphore_mem>>) {add = true}
        %dma_wait3A_169 = arith.constant 0 : i32
        %dma_wait3A_170 = tpu.memref_slice %arg7[%run_scoped3A_136, %dma_wait3A_169] : memref<2x128xi32, #tpu.memory_space<vmem>> -> memref<1x128xi32, #tpu.memory_space<vmem>>
        %dma_wait3A_171 = tpu.memref_squeeze %dma_wait3A_170 : memref<1x128xi32, #tpu.memory_space<vmem>> -> memref<128xi32, #tpu.memory_space<vmem>>
        %dma_wait3A_172 = arith.constant 0 : i32
        %dma_wait3A_173 = arith.constant 0 : i32
        %dma_wait3A_174 = tpu.memref_slice %arg12[%dma_wait3A_172, %dma_wait3A_173] : memref<10112x128xf32, #tpu.memory_space<vmem_shared>> -> memref<10112x128xf32, #tpu.memory_space<vmem_shared>>
        tpu.wait_indirect_dma semaphore(%run_scoped3A_162 : memref<!tpu.dma_semaphore, #tpu.memory_space<semaphore_mem>>) src(%arg11 : memref<128x128xf32, #tpu.memory_space<vmem>>) dst(%dma_wait3A_174 : memref<10112x128xf32, #tpu.memory_space<vmem_shared>>)
        tpu.yield
      }) : () -> ()
      %eq3A_137 = arith.constant 0 : i32
      %eq3A_138 = arith.cmpi eq, %arg0, %eq3A_137 : i32
      %convert_element_type3A_139 = arith.extui %eq3A_138 : i1 to i32
      %cond3A_140 = arith.constant 0 : i32
      %cond3A_141 = arith.cmpi ne, %convert_element_type3A_139, %cond3A_140 : i32
      scf.if %cond3A_141 {
        %dma_start3A_162 = arith.constant 1 : i32
        %dma_start3A_163 = arith.constant 0 : i32
        %dma_start3A_164 = tpu.memref_slice %arg7[%dma_start3A_162, %dma_start3A_163] : memref<2x128xi32, #tpu.memory_space<vmem>> -> memref<1x128xi32, #tpu.memory_space<vmem>>
        %dma_start3A_165 = tpu.memref_squeeze %dma_start3A_164 : memref<1x128xi32, #tpu.memory_space<vmem>> -> memref<128xi32, #tpu.memory_space<vmem>>
        %dma_start3A_166 = arith.constant 0 : i32
        %dma_start3A_167 = tpu.memref_slice %arg13[%dma_start3A_166] : memref<10112xf32, #tpu.memory_space<vmem_shared>> -> memref<10112xf32, #tpu.memory_space<vmem_shared>>
        tpu.enqueue_indirect_dma source(%arg8 : memref<128xf32, #tpu.memory_space<vmem>>) target(%dma_start3A_167 : memref<10112xf32, #tpu.memory_space<vmem_shared>>) offsets(%dma_start3A_165 : memref<128xi32, #tpu.memory_space<vmem>>) semaphore(%arg19 : memref<!tpu.dma_semaphore, #tpu.memory_space<semaphore_mem>>) {add = true}
      } else {
      }
      %add3A_142 = arith.constant 1 : i32
      %add3A_143 = arith.addi %add3A_128, %add3A_142 : i32
      %lt3A_144 = arith.constant 80 : i32
      %lt3A_145 = arith.cmpi slt, %add3A_143, %lt3A_144 : i32
      %convert_element_type3A_146 = arith.extui %lt3A_145 : i1 to i32
      %cond3A_147 = arith.constant 0 : i32
      %cond3A_148 = arith.cmpi ne, %convert_element_type3A_146, %cond3A_147 : i32
      scf.if %cond3A_148 {
        %add3A_162 = arith.addi %mul3A_42, %add3A_128 : i32
        %add3A_163 = arith.constant 1 : i32
        %add3A_164 = arith.addi %add3A_162, %add3A_163 : i32
        %dma_wait3A_165 = arith.constant 0 : i32
        %dma_wait3A_166 = arith.constant 0 : i32
        %dma_wait3A_167 = tpu.memref_slice %arg3[%add3A_164, %dma_wait3A_165, %dma_wait3A_166] : memref<2560x2x128xi32, #tpu.memory_space<hbm>> -> memref<1x2x128xi32, #tpu.memory_space<hbm>>
        %dma_wait3A_168 = tpu.memref_squeeze %dma_wait3A_167 : memref<1x2x128xi32, #tpu.memory_space<hbm>> -> memref<2x128xi32, #tpu.memory_space<hbm>>
        %dma_wait3A_169 = arith.constant 0 : i32
        %dma_wait3A_170 = arith.constant 0 : i32
        %dma_wait3A_171 = tpu.memref_slice %arg3[%add3A_164, %dma_wait3A_169, %dma_wait3A_170] : memref<2560x2x128xi32, #tpu.memory_space<hbm>> -> memref<1x2x128xi32, #tpu.memory_space<hbm>>
        %dma_wait3A_172 = tpu.memref_squeeze %dma_wait3A_171 : memref<1x2x128xi32, #tpu.memory_space<hbm>> -> memref<2x128xi32, #tpu.memory_space<hbm>>
        tpu.wait_dma2 semaphore(%arg16 : memref<!tpu.dma_semaphore, #tpu.memory_space<semaphore_mem>>) src(%dma_wait3A_172 : memref<2x128xi32, #tpu.memory_space<hbm>>) dst(%arg6 : memref<2x128xi32, #tpu.memory_space<vmem>>)
        %dma_start3A_173 = arith.constant 0 : i32
        %dma_start3A_174 = arith.constant 0 : i32
        %dma_start3A_175 = tpu.memref_slice %arg6[%dma_start3A_173, %dma_start3A_174] : memref<2x128xi32, #tpu.memory_space<vmem>> -> memref<1x128xi32, #tpu.memory_space<vmem>>
        %dma_start3A_176 = tpu.memref_squeeze %dma_start3A_175 : memref<1x128xi32, #tpu.memory_space<vmem>> -> memref<128xi32, #tpu.memory_space<vmem>>
        %dma_start3A_177 = arith.constant 0 : i32
        %dma_start3A_178 = arith.constant 0 : i32
        %dma_start3A_179 = tpu.memref_slice %arg2[%dma_start3A_177, %dma_start3A_178] : memref<20000x128xf32, #tpu.memory_space<hbm>> -> memref<20000x128xf32, #tpu.memory_space<hbm>>
        tpu.enqueue_indirect_dma source(%dma_start3A_179 : memref<20000x128xf32, #tpu.memory_space<hbm>>) target(%arg10 : memref<128x128xf32, #tpu.memory_space<vmem>>) offsets(%dma_start3A_176 : memref<128xi32, #tpu.memory_space<vmem>>) semaphore(%arg14 : memref<!tpu.dma_semaphore, #tpu.memory_space<semaphore_mem>>)
      } else {
      }
      %eq3A_149 = arith.constant 0 : i32
      %eq3A_150 = arith.cmpi eq, %arg0, %eq3A_149 : i32
      %convert_element_type3A_151 = arith.extui %eq3A_150 : i1 to i32
      %cond3A_152 = arith.constant 0 : i32
      %cond3A_153 = arith.cmpi ne, %convert_element_type3A_151, %cond3A_152 : i32
      scf.if %cond3A_153 {
        %dma_wait3A_162 = arith.constant 1 : i32
        %dma_wait3A_163 = arith.constant 0 : i32
        %dma_wait3A_164 = tpu.memref_slice %arg7[%dma_wait3A_162, %dma_wait3A_163] : memref<2x128xi32, #tpu.memory_space<vmem>> -> memref<1x128xi32, #tpu.memory_space<vmem>>
        %dma_wait3A_165 = tpu.memref_squeeze %dma_wait3A_164 : memref<1x128xi32, #tpu.memory_space<vmem>> -> memref<128xi32, #tpu.memory_space<vmem>>
        %dma_wait3A_166 = arith.constant 0 : i32
        %dma_wait3A_167 = tpu.memref_slice %arg13[%dma_wait3A_166] : memref<10112xf32, #tpu.memory_space<vmem_shared>> -> memref<10112xf32, #tpu.memory_space<vmem_shared>>
        tpu.wait_indirect_dma semaphore(%arg19 : memref<!tpu.dma_semaphore, #tpu.memory_space<semaphore_mem>>) src(%arg8 : memref<128xf32, #tpu.memory_space<vmem>>) dst(%dma_wait3A_167 : memref<10112xf32, #tpu.memory_space<vmem_shared>>)
      } else {
      }
      %add3A_154 = arith.constant 2 : i32
      %add3A_155 = arith.addi %add3A_128, %add3A_154 : i32
      %lt3A_156 = arith.constant 80 : i32
      %lt3A_157 = arith.cmpi slt, %add3A_155, %lt3A_156 : i32
      %convert_element_type3A_158 = arith.extui %lt3A_157 : i1 to i32
      %cond3A_159 = arith.constant 0 : i32
      %cond3A_160 = arith.cmpi ne, %convert_element_type3A_158, %cond3A_159 : i32
      scf.if %cond3A_160 {
        %add3A_162 = arith.addi %mul3A_42, %add3A_128 : i32
        %add3A_163 = arith.constant 2 : i32
        %add3A_164 = arith.addi %add3A_162, %add3A_163 : i32
        %dma_start3A_165 = arith.constant 0 : i32
        %dma_start3A_166 = arith.constant 0 : i32
        %dma_start3A_167 = tpu.memref_slice %arg3[%add3A_164, %dma_start3A_165, %dma_start3A_166] : memref<2560x2x128xi32, #tpu.memory_space<hbm>> -> memref<1x2x128xi32, #tpu.memory_space<hbm>>
        %dma_start3A_168 = tpu.memref_squeeze %dma_start3A_167 : memref<1x2x128xi32, #tpu.memory_space<hbm>> -> memref<2x128xi32, #tpu.memory_space<hbm>>
        %dma_start3A_169 = arith.constant 0 : i32
        %dma_start3A_170 = arith.constant 0 : i32
        %dma_start3A_171 = tpu.memref_slice %arg3[%add3A_164, %dma_start3A_169, %dma_start3A_170] : memref<2560x2x128xi32, #tpu.memory_space<hbm>> -> memref<1x2x128xi32, #tpu.memory_space<hbm>>
        %dma_start3A_172 = tpu.memref_squeeze %dma_start3A_171 : memref<1x2x128xi32, #tpu.memory_space<hbm>> -> memref<2x128xi32, #tpu.memory_space<hbm>>
        tpu.enqueue_dma source(%dma_start3A_172 : memref<2x128xi32, #tpu.memory_space<hbm>>) target(%arg7 : memref<2x128xi32, #tpu.memory_space<vmem>>) target_semaphore(%arg17 : memref<!tpu.dma_semaphore, #tpu.memory_space<semaphore_mem>>)
      } else {
      }
      %scan3A_161 = arith.constant 0 : i32
      scf.yield %scan3A_161 : i32
    }
    %scan3A_82 = arith.constant 40 : i32
    %barrier3A_83 = arith.constant 0 : index
    tpu.barrier barrier_id(%barrier3A_83)
    "tpu.region"() ({
      %run_scoped3A = tpu.sem_alloc : memref<!tpu.dma_semaphore, #tpu.memory_space<semaphore_mem>>
      %dma_start3A_89 = arith.constant 0 : i32
      %dma_start3A_90 = arith.constant 0 : i32
      %dma_start3A_91 = tpu.memref_slice %arg4[%arg0, %dma_start3A_89, %dma_start3A_90] : memref<2x10112x128xf32, #tpu.memory_space<hbm>> -> memref<1x10112x128xf32, #tpu.memory_space<hbm>>
      %dma_start3A_92 = tpu.memref_squeeze %dma_start3A_91 : memref<1x10112x128xf32, #tpu.memory_space<hbm>> -> memref<10112x128xf32, #tpu.memory_space<hbm>>
      %dma_start3A_93 = arith.constant 0 : i32
      %dma_start3A_94 = tpu.memref_slice %dma_start3A_92[%mul3A_0, %dma_start3A_93] : memref<10112x128xf32, #tpu.memory_space<hbm>> -> memref<632x128xf32, #tpu.memory_space<hbm>>
      %dma_start3A_95 = arith.constant 0 : i32
      %dma_start3A_96 = tpu.memref_slice %arg12[%mul3A_0, %dma_start3A_95] : memref<10112x128xf32, #tpu.memory_space<vmem_shared>> -> memref<632x128xf32, #tpu.memory_space<vmem_shared>>
      tpu.enqueue_dma source(%dma_start3A_96 : memref<632x128xf32, #tpu.memory_space<vmem_shared>>) target(%dma_start3A_94 : memref<632x128xf32, #tpu.memory_space<hbm>>) target_semaphore(%run_scoped3A : memref<!tpu.dma_semaphore, #tpu.memory_space<semaphore_mem>>)
      %dma_wait3A_97 = arith.constant 0 : i32
      %dma_wait3A_98 = arith.constant 0 : i32
      %dma_wait3A_99 = tpu.memref_slice %arg4[%arg0, %dma_wait3A_97, %dma_wait3A_98] : memref<2x10112x128xf32, #tpu.memory_space<hbm>> -> memref<1x10112x128xf32, #tpu.memory_space<hbm>>
      %dma_wait3A_100 = tpu.memref_squeeze %dma_wait3A_99 : memref<1x10112x128xf32, #tpu.memory_space<hbm>> -> memref<10112x128xf32, #tpu.memory_space<hbm>>
      %dma_wait3A_101 = arith.constant 0 : i32
      %dma_wait3A_102 = tpu.memref_slice %dma_wait3A_100[%mul3A_0, %dma_wait3A_101] : memref<10112x128xf32, #tpu.memory_space<hbm>> -> memref<632x128xf32, #tpu.memory_space<hbm>>
      %dma_wait3A_103 = arith.constant 0 : i32
      %dma_wait3A_104 = tpu.memref_slice %arg12[%mul3A_0, %dma_wait3A_103] : memref<10112x128xf32, #tpu.memory_space<vmem_shared>> -> memref<632x128xf32, #tpu.memory_space<vmem_shared>>
      tpu.wait_dma2 semaphore(%run_scoped3A : memref<!tpu.dma_semaphore, #tpu.memory_space<semaphore_mem>>) src(%dma_wait3A_104 : memref<632x128xf32, #tpu.memory_space<vmem_shared>>) dst(%dma_wait3A_102 : memref<632x128xf32, #tpu.memory_space<hbm>>)
      tpu.yield
    }) : () -> ()
    %eq3A_84 = arith.constant 0 : i32
    %eq3A_85 = arith.cmpi eq, %arg0, %eq3A_84 : i32
    %convert_element_type3A_86 = arith.extui %eq3A_85 : i1 to i32
    %cond3A_87 = arith.constant 0 : i32
    %cond3A_88 = arith.cmpi ne, %convert_element_type3A_86, %cond3A_87 : i32
    scf.if %cond3A_88 {
      "tpu.region"() ({
        %run_scoped3A = tpu.sem_alloc : memref<!tpu.dma_semaphore, #tpu.memory_space<semaphore_mem>>
        %dma_start3A_89 = tpu.memref_slice %arg13[%mul3A_0] : memref<10112xf32, #tpu.memory_space<vmem_shared>> -> memref<632xf32, #tpu.memory_space<vmem_shared>>
        %dma_start3A_90 = tpu.memref_slice %arg13[%mul3A_0] : memref<10112xf32, #tpu.memory_space<vmem_shared>> -> memref<632xf32, #tpu.memory_space<vmem_shared>>
        tpu.enqueue_dma source(%dma_start3A_90 : memref<632xf32, #tpu.memory_space<vmem_shared>>) target(%arg9 : memref<632xf32, #tpu.memory_space<vmem>>) target_semaphore(%run_scoped3A : memref<!tpu.dma_semaphore, #tpu.memory_space<semaphore_mem>>)
        %dma_wait3A_91 = tpu.memref_slice %arg13[%mul3A_0] : memref<10112xf32, #tpu.memory_space<vmem_shared>> -> memref<632xf32, #tpu.memory_space<vmem_shared>>
        %dma_wait3A_92 = tpu.memref_slice %arg13[%mul3A_0] : memref<10112xf32, #tpu.memory_space<vmem_shared>> -> memref<632xf32, #tpu.memory_space<vmem_shared>>
        tpu.wait_dma2 semaphore(%run_scoped3A : memref<!tpu.dma_semaphore, #tpu.memory_space<semaphore_mem>>) src(%dma_wait3A_92 : memref<632xf32, #tpu.memory_space<vmem_shared>>) dst(%arg9 : memref<632xf32, #tpu.memory_space<vmem>>)
        tpu.yield
      }) : () -> ()
      "tpu.region"() ({
        %run_scoped3A = tpu.sem_alloc : memref<!tpu.dma_semaphore, #tpu.memory_space<semaphore_mem>>
        %dma_start3A_89 = tpu.memref_slice %arg5[%mul3A_0] : memref<10112xf32, #tpu.memory_space<hbm>> -> memref<632xf32, #tpu.memory_space<hbm>>
        %dma_start3A_90 = tpu.memref_slice %arg5[%mul3A_0] : memref<10112xf32, #tpu.memory_space<hbm>> -> memref<632xf32, #tpu.memory_space<hbm>>
        tpu.enqueue_dma source(%arg9 : memref<632xf32, #tpu.memory_space<vmem>>) target(%dma_start3A_90 : memref<632xf32, #tpu.memory_space<hbm>>) target_semaphore(%run_scoped3A : memref<!tpu.dma_semaphore, #tpu.memory_space<semaphore_mem>>)
        %dma_wait3A_91 = tpu.memref_slice %arg5[%mul3A_0] : memref<10112xf32, #tpu.memory_space<hbm>> -> memref<632xf32, #tpu.memory_space<hbm>>
        %dma_wait3A_92 = tpu.memref_slice %arg5[%mul3A_0] : memref<10112xf32, #tpu.memory_space<hbm>> -> memref<632xf32, #tpu.memory_space<hbm>>
        tpu.wait_dma2 semaphore(%run_scoped3A : memref<!tpu.dma_semaphore, #tpu.memory_space<semaphore_mem>>) src(%arg9 : memref<632xf32, #tpu.memory_space<vmem>>) dst(%dma_wait3A_92 : memref<632xf32, #tpu.memory_space<hbm>>)
        tpu.yield
      }) : () -> ()
    } else {
    }
    return
  }
}

module attributes {stable_mosaic.version = 14 : i64} {
  func.func @_tc_block(%arg0: i32, %arg1: memref<2x632x128xf32, #tpu.memory_space<vmem>>, %arg2: memref<632x1xf32, #tpu.memory_space<vmem>>, %arg3: memref<256x256xf32, #tpu.memory_space<vmem>>, %arg4: memref<1x256xf32, #tpu.memory_space<vmem>>, %arg5: memref<1x256xf32, #tpu.memory_space<vmem>>, %arg6: memref<1x256xf32, #tpu.memory_space<vmem>>, %arg7: memref<632x256xf32, #tpu.memory_space<vmem>>) attributes {dimension_semantics = [#tpu.dimension_semantics<arbitrary>], iteration_bounds = array<i64: 16>, scalar_prefetch = 0 : i64, scratch_operands = 0 : i64, tpu.core_type = #tpu.core_type<tc>, window_params = [{transform_indices = @transform_0, window_bounds = array<i64: 2, 632, 128>}, {transform_indices = @transform_1, window_bounds = array<i64: 632, 1>}, {pipeline_mode = #tpu.pipeline_mode<synchronous>, transform_indices = @transform_2, window_bounds = array<i64: 256, 256>}, {pipeline_mode = #tpu.pipeline_mode<synchronous>, transform_indices = @transform_3, window_bounds = array<i64: 1, 256>}, {pipeline_mode = #tpu.pipeline_mode<synchronous>, transform_indices = @transform_4, window_bounds = array<i64: 1, 256>}, {pipeline_mode = #tpu.pipeline_mode<synchronous>, transform_indices = @transform_5, window_bounds = array<i64: 1, 256>}, {transform_indices = @transform_6, window_bounds = array<i64: 632, 256>}]} {
    %get3A = arith.constant 0 : index
    %get3A_0 = arith.constant 0 : index
    %get3A_1 = vector.load %arg2[%get3A, %get3A_0] : memref<632x1xf32, #tpu.memory_space<vmem>>, vector<632x1xf32>
    %max3A = arith.constant 1.000000e+00 : f32
    %max3A_2 = vector.broadcast %max3A : f32 to vector<632x1xf32>
    %max3A_3 = arith.maximumf %get3A_1, %max3A_2 : vector<632x1xf32>
    %div3A = arith.constant 1.000000e+00 : f32
    %div3A_4 = vector.broadcast %div3A : f32 to vector<632x1xf32>
    %div3A_5 = arith.divf %div3A_4, %max3A_3 : vector<632x1xf32>
    %get3A_6 = arith.constant 0 : index
    %get3A_7 = arith.constant 0 : index
    %get3A_8 = arith.constant 0 : index
    %get3A_9 = vector.load %arg1[%get3A_6, %get3A_7, %get3A_8] : memref<2x632x128xf32, #tpu.memory_space<vmem>>, vector<1x632x128xf32>
    %get3A_10 = vector.shape_cast %get3A_9 : vector<1x632x128xf32> to vector<632x128xf32>
    %mul3A = vector.broadcast %div3A_5 : vector<632x1xf32> to vector<632x128xf32>
    %mul3A_11 = arith.mulf %get3A_10, %mul3A : vector<632x128xf32>
    %get3A_12 = arith.constant 1 : index
    %get3A_13 = arith.constant 0 : index
    %get3A_14 = arith.constant 0 : index
    %get3A_15 = vector.load %arg1[%get3A_12, %get3A_13, %get3A_14] : memref<2x632x128xf32, #tpu.memory_space<vmem>>, vector<1x632x128xf32>
    %get3A_16 = vector.shape_cast %get3A_15 : vector<1x632x128xf32> to vector<632x128xf32>
    %mul3A_17 = vector.broadcast %div3A_5 : vector<632x1xf32> to vector<632x128xf32>
    %mul3A_18 = arith.mulf %get3A_16, %mul3A_17 : vector<632x128xf32>
    %get3A_19 = arith.constant 0 : index
    %get3A_20 = arith.constant 0 : index
    %get3A_21 = vector.load %arg3[%get3A_19, %get3A_20] : memref<256x256xf32, #tpu.memory_space<vmem>>, vector<128x256xf32>
    %dot_general3A = arith.constant dense<0.000000e+00> : vector<632x256xf32>
    %dot_general3A_22 = tpu.matmul %mul3A_11, %get3A_21, %dot_general3A {dimension_numbers = #tpu.dot_dimension_numbers<[1], [0], [0], [1], [0, 0, 1, 1], [], []>, transpose_lhs_hint = false} : vector<632x128xf32>, vector<128x256xf32>, vector<632x256xf32> -> vector<632x256xf32>
    %get3A_23 = arith.constant 128 : index
    %get3A_24 = arith.constant 0 : index
    %get3A_25 = vector.load %arg3[%get3A_23, %get3A_24] : memref<256x256xf32, #tpu.memory_space<vmem>>, vector<128x256xf32>
    %dot_general3A_26 = arith.constant dense<0.000000e+00> : vector<632x256xf32>
    %dot_general3A_27 = tpu.matmul %mul3A_18, %get3A_25, %dot_general3A_26 {dimension_numbers = #tpu.dot_dimension_numbers<[1], [0], [0], [1], [0, 0, 1, 1], [], []>, transpose_lhs_hint = false} : vector<632x128xf32>, vector<128x256xf32>, vector<632x256xf32> -> vector<632x256xf32>
    %add3A = arith.addf %dot_general3A_22, %dot_general3A_27 : vector<632x256xf32>
    %get3A_28 = arith.constant 0 : index
    %get3A_29 = arith.constant 0 : index
    %get3A_30 = vector.load %arg4[%get3A_28, %get3A_29] : memref<1x256xf32, #tpu.memory_space<vmem>>, vector<1x256xf32>
    %add3A_31 = vector.broadcast %get3A_30 : vector<1x256xf32> to vector<632x256xf32>
    %add3A_32 = arith.addf %add3A, %add3A_31 : vector<632x256xf32>
    %reduce_sum3A = arith.constant dense<0.000000e+00> : vector<632xf32>
    %reduce_sum3A_33 = vector.multi_reduction <add>, %add3A_32, %reduce_sum3A [1] : vector<632x256xf32> to vector<632xf32>
    %broadcast_in_dim3A = vector.shape_cast %reduce_sum3A_33 : vector<632xf32> to vector<632x1xf32>
    %div3A_34 = arith.constant 2.560000e+02 : f32
    %div3A_35 = vector.broadcast %div3A_34 : f32 to vector<632x1xf32>
    %div3A_36 = arith.divf %broadcast_in_dim3A, %div3A_35 : vector<632x1xf32>
    %sub3A = vector.broadcast %div3A_36 : vector<632x1xf32> to vector<632x256xf32>
    %sub3A_37 = arith.subf %add3A_32, %sub3A : vector<632x256xf32>
    %mul3A_38 = arith.mulf %sub3A_37, %sub3A_37 : vector<632x256xf32>
    %reduce_sum3A_39 = arith.constant dense<0.000000e+00> : vector<632xf32>
    %reduce_sum3A_40 = vector.multi_reduction <add>, %mul3A_38, %reduce_sum3A_39 [1] : vector<632x256xf32> to vector<632xf32>
    %broadcast_in_dim3A_41 = vector.shape_cast %reduce_sum3A_40 : vector<632xf32> to vector<632x1xf32>
    %div3A_42 = arith.constant 2.560000e+02 : f32
    %div3A_43 = vector.broadcast %div3A_42 : f32 to vector<632x1xf32>
    %div3A_44 = arith.divf %broadcast_in_dim3A_41, %div3A_43 : vector<632x1xf32>
    %add3A_45 = arith.constant 9.99999974E-6 : f32
    %add3A_46 = vector.broadcast %add3A_45 : f32 to vector<632x1xf32>
    %add3A_47 = arith.addf %div3A_44, %add3A_46 : vector<632x1xf32>
    %rsqrt3A = math.rsqrt %add3A_47 : vector<632x1xf32>
    %mul3A_48 = vector.broadcast %rsqrt3A : vector<632x1xf32> to vector<632x256xf32>
    %mul3A_49 = arith.mulf %sub3A_37, %mul3A_48 : vector<632x256xf32>
    %get3A_50 = arith.constant 0 : index
    %get3A_51 = arith.constant 0 : index
    %get3A_52 = vector.load %arg5[%get3A_50, %get3A_51] : memref<1x256xf32, #tpu.memory_space<vmem>>, vector<1x256xf32>
    %mul3A_53 = vector.broadcast %get3A_52 : vector<1x256xf32> to vector<632x256xf32>
    %mul3A_54 = arith.mulf %mul3A_49, %mul3A_53 : vector<632x256xf32>
    %get3A_55 = arith.constant 0 : index
    %get3A_56 = arith.constant 0 : index
    %get3A_57 = vector.load %arg6[%get3A_55, %get3A_56] : memref<1x256xf32, #tpu.memory_space<vmem>>, vector<1x256xf32>
    %add3A_58 = vector.broadcast %get3A_57 : vector<1x256xf32> to vector<632x256xf32>
    %add3A_59 = arith.addf %mul3A_54, %add3A_58 : vector<632x256xf32>
    %max3A_60 = arith.constant 0.000000e+00 : f32
    %max3A_61 = vector.broadcast %max3A_60 : f32 to vector<632x256xf32>
    %max3A_62 = arith.maximumf %add3A_59, %max3A_61 : vector<632x256xf32>
    %swap3A = arith.constant 0 : index
    %swap3A_63 = arith.constant 0 : index
    %swap3A_64 = vector.load %arg7[%swap3A, %swap3A_63] : memref<632x256xf32, #tpu.memory_space<vmem>>, vector<632x256xf32>
    tpu.vector_store %arg7[%swap3A, %swap3A_63], %max3A_62 {strides = array<i32>} : memref<632x256xf32, #tpu.memory_space<vmem>>, vector<632x256xf32>,
    return
  }
  func.func @transform_0(%arg0: i32) -> (i32, i32, i32) {
    %c0_i32 = arith.constant 0 : i32
    %c0_i32_0 = arith.constant 0 : i32
    %c0_i32_1 = arith.constant 0 : i32
    return %c0_i32, %arg0, %c0_i32_0 : i32, i32, i32
  }
  func.func @transform_1(%arg0: i32) -> (i32, i32) {
    %c0_i32 = arith.constant 0 : i32
    %c0_i32_0 = arith.constant 0 : i32
    return %arg0, %c0_i32 : i32, i32
  }
  func.func @transform_2(%arg0: i32) -> (i32, i32) {
    %c0_i32 = arith.constant 0 : i32
    %c0_i32_0 = arith.constant 0 : i32
    %c0_i32_1 = arith.constant 0 : i32
    return %c0_i32, %c0_i32_0 : i32, i32
  }
  func.func @transform_3(%arg0: i32) -> (i32, i32) {
    %c0_i32 = arith.constant 0 : i32
    %c0_i32_0 = arith.constant 0 : i32
    %c0_i32_1 = arith.constant 0 : i32
    return %c0_i32, %c0_i32_0 : i32, i32
  }
  func.func @transform_4(%arg0: i32) -> (i32, i32) {
    %c0_i32 = arith.constant 0 : i32
    %c0_i32_0 = arith.constant 0 : i32
    %c0_i32_1 = arith.constant 0 : i32
    return %c0_i32, %c0_i32_0 : i32, i32
  }
  func.func @transform_5(%arg0: i32) -> (i32, i32) {
    %c0_i32 = arith.constant 0 : i32
    %c0_i32_0 = arith.constant 0 : i32
    %c0_i32_1 = arith.constant 0 : i32
    return %c0_i32, %c0_i32_0 : i32, i32
  }
  func.func @transform_6(%arg0: i32) -> (i32, i32) {
    %c0_i32 = arith.constant 0 : i32
    %c0_i32_0 = arith.constant 0 : i32
    return %arg0, %c0_i32 : i32, i32
  }
}

</mosaic_0001>

<sc_bundles>
// kernel: kernel.4.cloned.1.call-start
scs
__scs_entry_jumppad:
0x0: {  	(pc) =	sbr.rel $0x88, $3  }
0x1: {  	(tag) =	ssettag $0x0;
	lr =	simm.s32 $0x1  }
0x2: {  	[smem:$0x3F9B] =	sst lr;
	_ =	strace $0xD0000000  }
0x3: {  	_ = 	snop  }
0x4: {  	_ = 	snop  }
0x5: {  	_ = 	snop  }
0x6: {  	_ = 	snop  }
0x7: {  	_ = 	snop  }
__scs_overlays_trampoline_lowered:
0x8: {  	[smem:$0x3FAA] =	sst s0  }
0x9: {  	[smem:$0x3FAB] =	sst s1  }
0xa: {  	[smem:$0x3FAC] =	sst s2  }
0xb: {  	[smem:$0x3FAD] =	sst s3  }
0xc: {  	[smem:$0x3FAE] =	sst s4  }
0xd: {  	[smem:$0x3FAF] =	sst s5  }
0xe: {  	[smem:$0x3FB0] =	sst s6  }
0xf: {  	[smem:$0x3FB1] =	sst s7  }
0x10: {  	[smem:$0x3FB2] =	sst s8  }
0x11: {  	[smem:$0x3FB3] =	sst s9;
	s0 =	simm.s32 @!p0 $0x0  }
0x12: {  	s1 =	sld [smem:$0x3F99];
	s0 =	simm.s32 @p0 $0x1  }
0x13: {  	[smem:$0x3FB4] =	sst s0;
	s0 =	simm.s32 @!p1 $0x0  }
0x14: {  	s2 =	sld [smem:$0x3F98];
	s0 =	simm.s32 @p1 $0x1  }
0x15: {  	[smem:$0x3FB5] =	sst s0;
	s0 =	simm.s32 @!p2 $0x0  }
0x16: {  	s3 =	sld [smem:$0x3FDB];
	s0 =	simm.s32 @p2 $0x1  }
0x17: {  	s4 =	simm.s32 $0x1BF5;
	[smem:$0x3FB7] =	sst s0  }
0x18: {  	s0 =	sld [smem:$0x3F9A];
	_ =	swait.ge [sflag:s4], $0x0  }
0x19: {  	s7 =	sld [smem:$0x3F9B]  }
0x1a: {  	s8 =	sadd.s32 $0xFFFFE003, lr  }
0x1b: {  	s9 =	sadd.s32 $0xFFFFFEF7, lr;
	s5 =	simm.s32 $0xFFFFFFFF;
	p2 =	slt.u32 s8, $0xFFFFF086  }
0x1c: {  	p1 =	slt.u32 s9, $0xF7A;
	s5 =	simm.s32 @!p2 $0x0  }
0x1d: {  	s5 =	simm.s32 @p1 $0x1;
	p0 =	seq.s32 s7, s2  }
0x1e: {  	s7 =	smul.u32 @!p0 $0xF7A, s2;
	p2 =	seq.s32 @!p0 s5, $0x0  }
0x1f: {  	s9 =	smul.u32 $0xF7A, s1;
	s8 =	simm.s32 @!p0 $0x1BF5;
	p2 =	por !p2, p0  }
0x20: {  	[sflag:s8] =	ssyncset.s32 @!p0 $0xFFFFF086;
	s6 =	sadd.s32 @!p0 s3, s7;
	s7 =	simm.s32 @!p0 $0x108  }
0x21: {  	s3 =	sadd.s32 s3, s9;
	s6 =	sadd.s32 @!p0 $0x88, s6;
	s7 =	simm.s32 @p2 $0x1082  }
0x22: {  	[simem:s7], [sflag:s8] =	dma.local @!p0 [hbm:s6], $0xF7A  }
0x23: {  	s9 =	sor.u32 $0xD0000000, s2;
	s6 =	simm.s32 $0x108;
	_ =	swait.ge @!p0 [sflag:s8], $0x0  }
0x24: {  	s3 =	sadd.s32 $0x88, s3;
	s6 =	simm.s32 @!p1 $0x1082;
	[sflag:s4] =	ssyncset.s32 $0xFFFFF086  }
0x25: {  	[simem:s6], [sflag:s4] =	dma.local [hbm:s3], $0xF7A  }
0x26: {  	[smem:$0x3F9B] =	sst s1;
	(tag) =	ssettag s2;
	_ =	strace s9  }
0x27: {  	s1 =	sld [smem:$0x3FAB]  }
0x28: {  	s2 =	sld [smem:$0x3FAC]  }
0x29: {  	s4 =	sld [smem:$0x3FAE]  }
0x2a: {  	p0 =	seq.s32 s5, $0x0;
	s5 =	sld [smem:$0x3FAF]  }
0x2b: {  	s6 =	sld [smem:$0x3FB0]  }
0x2c: {  	s7 =	sld [smem:$0x3FB1]  }
0x2d: {  	s3 =	simm.s32 $0x108;
	s8 =	sld [smem:$0x3FB2]  }
0x2e: {  	s3 =	simm.s32 @!p0 $0x1082;
	s9 =	sld [smem:$0x3FB3]  }
0x2f: {  	lr =	sadd.s32 s0, s3;
	s0 =	sld [smem:$0x3FAA]  }
0x30: {  	s3 =	sld [smem:$0x3FAD]  }
0x31: {  	[smem:$0x3FB6] =	sst s10  }
0x32: {  	s10 =	sld [smem:$0x3FB4];
	_ =	sdelay $0x3  }
0x33: {  	p0 =	seq.s32 s10, $0x1;
	s10 =	sld [smem:$0x3FB6];
	_ =	sdelay $0x3  }
0x34: {  	[smem:$0x3FB6] =	sst s10  }
0x35: {  	s10 =	sld [smem:$0x3FB5];
	_ =	sdelay $0x3  }
0x36: {  	p1 =	seq.s32 s10, $0x1;
	s10 =	sld [smem:$0x3FB6];
	_ =	sdelay $0x3  }
0x37: {  	[smem:$0x3FB6] =	sst s10  }
0x38: {  	s10 =	sld [smem:$0x3FB7]  }
0x39: {  	_ = 	snop;
	(pc) =	sbr.ind lr, $3  }
0x3a: {  	_ = 	snop  }
0x3b: {  	_ = 	snop  }
0x3c: {  	p2 =	seq.s32 s10, $0x1;
	s10 =	sld [smem:$0x3FB6]  }
0x3d: {  	_ =	shalt  }
0x3e: {  	_ =	shalt  }
0x3f: {  	_ =	shalt  }
0x40: {  	_ =	shalt  }
0x41: {  	_ =	shalt  }
0x42: {  	_ =	shalt  }
0x43: {  	_ =	shalt  }
0x44: {  	_ =	shalt  }
0x45: {  	_ =	shalt  }
0x46: {  	_ =	shalt  }
0x47: {  	_ =	shalt  }
0x48: {  	_ =	shalt  }
0x49: {  	_ =	shalt  }
0x4a: {  	_ =	shalt  }
0x4b: {  	_ =	shalt  }
0x4c: {  	_ =	shalt  }
0x4d: {  	_ =	shalt  }
0x4e: {  	_ =	shalt  }
0x4f: {  	_ =	shalt  }
0x50: {  	_ =	shalt  }
0x51: {  	_ =	shalt  }
0x52: {  	_ =	shalt  }
0x53: {  	_ =	shalt  }
0x54: {  	_ =	shalt  }
0x55: {  	_ =	shalt  }
0x56: {  	_ =	shalt  }
0x57: {  	_ =	shalt  }
0x58: {  	_ =	shalt  }
0x59: {  	_ =	shalt  }
0x5a: {  	_ =	shalt  }
0x5b: {  	_ =	shalt  }
0x5c: {  	_ =	shalt  }
0x5d: {  	_ =	shalt  }
0x5e: {  	_ =	shalt  }
0x5f: {  	_ =	shalt  }
0x60: {  	_ =	shalt  }
0x61: {  	_ =	shalt  }
0x62: {  	_ =	shalt  }
0x63: {  	_ =	shalt  }
0x64: {  	_ =	shalt  }
0x65: {  	_ =	shalt  }
0x66: {  	_ =	shalt  }
0x67: {  	_ =	shalt  }
0x68: {  	_ =	shalt  }
0x69: {  	_ =	shalt  }
0x6a: {  	_ =	shalt  }
0x6b: {  	_ =	shalt  }
0x6c: {  	_ =	shalt  }
0x6d: {  	_ =	shalt  }
0x6e: {  	_ =	shalt  }
0x6f: {  	_ =	shalt  }
0x70: {  	_ =	shalt  }
0x71: {  	_ =	shalt  }
0x72: {  	_ =	shalt  }
0x73: {  	_ =	shalt  }
0x74: {  	_ =	shalt  }
0x75: {  	_ =	shalt  }
0x76: {  	_ =	shalt  }
0x77: {  	_ =	shalt  }
0x78: {  	_ =	shalt  }
0x79: {  	_ =	shalt  }
0x7a: {  	_ =	shalt  }
0x7b: {  	_ =	shalt  }
0x7c: {  	_ =	shalt  }
0x7d: {  	_ =	shalt  }
0x7e: {  	_ =	shalt  }
0x7f: {  	_ =	shalt  }
0x80: {  	_ =	shalt  }
0x81: {  	_ =	shalt  }
0x82: {  	_ =	shalt  }
0x83: {  	_ =	shalt  }
0x84: {  	_ =	shalt  }
0x85: {  	_ =	shalt  }
0x86: {  	_ =	shalt  }
0x87: {  	_ =	shalt  }
.Lfunc_end0:
.L_simem_size_0:
called_computation_lowered:
.L_overlay_start_0:
0x88: {  	s2 =	sld [smem:$0x3FD9]  }
0x89: {  	s3 =	sld [smem:$0x3FFE];
	_ =	sdelay $0x1  }
0x8a: {  	s1 =	srdreg.scid  }
0x8b: {  	s0 =	sand.u32 $0x1, s1  }
0x8c: {  	s17 =	sshll.u32 s0, $0xA;
	s2 =	sadd.s32 s3, s2  }
0x8d: {  	s2 =	sadd.s32 s2, s17  }
0x8e: {  	[smem:$0x3FC2] =	sst s2  }
0x8f: {  	_ = 	snop  }
0x90: {  	s2 =	sld [smem:$0x3FD0];
	(tm) =	ssettm $0x1  }
0x91: {  	s18 =	sld [smem:$0x3FFB];
	_ =	sdelay $0x3  }
0x92: {  	_ =	strace s18  }
0x93: {  	s3 =	sld [smem:$0x3FFC];
	_ =	sdelay $0x3  }
0x94: {  	_ =	strace s3  }
0x95: {  	s3 =	sld [smem:$0x3FFD];
	_ =	sdelay $0x3  }
0x96: {  	_ =	strace s3  }
0x97: {  	_ =	strace $0x8FFFFFFF  }
0x98: {  	s19 =	sld [smem:$0x3FDB];
	_ =	sdelay $0x1  }
0x99: {  	s4 =	simm.s32 $_scs_section_size  }
0x9a: {  	s5 =	simm.s32 $_size__tile_overlayer_lowered;
	s6 =	simm.s32 $_tile_overlayer_lowered  }
0x9b: {  	s22 =	simm.s32 $0x1BFF;
	s21 =	sshll.u32 s6, $0x1;
	s3 =	sadd.s32 s4, s19  }
0x9c: {  	s7 =	simm.s32 $0x0;
	s20 =	sshll.u32 s5, $0x1;
	s5 =	sadd.s32 s21, s3  }
0x9d: {  	[timem:s7], [sflag:s22] =	dma.local [hbm:s5], s20  }
0x9e: {  	_ =	swait.ge [sflag:s22], s20  }
0x9f: {  	s4 =	ssub.s32 $0x0, s20;
	[sflag:s22] =	ssyncset.done $0x0  }
0xa0: {  	[sflag:s22] =	ssyncadd.s32 s4;
	_ =	sdelay $0x1  }
0xa1: {  	s23 =	simm.s32 $0x1B8B  }
0xa2: {  	_ =	swait.ge [sflag:s23], $0x1  }
0xa3: {  	[sflag:s23] =	ssyncset.done $0x0  }
0xa4: {  	s25 =	simm.s32 $0x1B8E;
	s24 =	sld [smem:$0x3FFE];
	[sflag:s23] =	ssyncadd.s32 $0xFFFFFFFF  }
0xa5: {  	s26 =	simm.s32 $execute0_lowered;
	[smem:$0x3FD2] =	sst s25  }
0xa6: {  	s5 =	sshll.u32 s26, $0x1;
	_ =	strace $0x80000046;
	[dreg:$0x1] =	wrdreg $0xFFFFFFFF  }
0xa7: {  	s28 =	simm.s32 $_size_execute0_lowered;
	s3 =	sadd.s32 s3, s5;
	[dreg:$0x0] =	wrdreg $0x0  }
0xa8: {  	s5 =	sshll.u32 s28, $0x1;
	[dreg:$0x2] =	wrdreg s3  }
0xa9: {  	[dreg:$0x3] =	wrdreg s5  }
0xaa: {  	[dreg:$0x4] =	wrdreg $0xC0  }
0xab: {  	_ =	task [dreg:s7], $0x5FFFF  }
0xac: {  	[dreg:$0x1] =	wrdreg $0xFFFFFFFF  }
0xad: {  	[dreg:$0x0] =	wrdreg $0x60  }
0xae: {  	[dreg:$0x2] =	wrdreg s2  }
0xaf: {  	[dreg:$0x3] =	wrdreg s24  }
0xb0: {  	[dreg:$0x4] =	wrdreg $0x85000  }
0xb1: {  	[dreg:$0x5] =	wrdreg $0x1C1000  }
0xb2: {  	[dreg:$0x6] =	wrdreg $0x9  }
0xb3: {  	_ =	task.clear_ibuf [dreg:s7], $0x7FFFF;
	_ =	strace $0x90000046  }
0xb4: {  	s29 =	simm.s32 $0x9;
	_ =	strace $0x80000048  }
0xb5: {  	_ =	swait.ge [sflag:s29], $0x1  }
0xb6: {  	[sflag:s29] =	ssyncadd.s32 $0xFFFFFFFF  }
0xb7: {  	_ =	strace $0x90000048  }
0xb8: {  	_ =	sfence  }
0xb9: {  	s30 =	sld [smem:$0x0];
	_ =	sdelay $0x2  }
0xba: {  	s31 =	sshll.u32 s1, $0xD;
	s1 =	sshrl.u32 s1, $0x2  }
0xbb: {  	s3 =	sand.u32 $0x4000, s31;
	s1 =	sadd.s32 s1, s30  }
0xbc: {  	s0 =	sor.u32 s3, s0;
	s1 =	sshll.u32 s1, $0x11  }
0xbd: {  	s0 =	sor.u32 s1, s0  }
0xbe: {  	s0 =	sadd.s32 $0x8F2B, s0  }
0xbf: {  	[sflag:s0] =	ssyncadd.remote.s32 $0x1  }
0xc0: {  	_ =	sfence.sel $0xFFFF  }
0xc1: {  	[dreg:$0x0] =	wrdreg $0xFFFFFFFF;
	(pc) =	sbr.abs _section_cstart, $3  }
0xc2: {  	[dreg:$0x1] =	wrdreg $0xFFFFFFFF  }
0xc3: {  	_ =	task.clear_ibuf [dreg:s7], $0x2FFFF;
	_ =	strace $0x9FFFFFFF  }
0xc4: {  	(tm) =	ssettm $0x7FFFFFFF  }
0xc5: {  	_ =	shalt  }
tec
execute0_lowered:
.L_overlay_start_1:
0x0: {  	(tag) =	ssettag $0x1  }
0x1: {  	s1 =	rddreg [dreg:$0x0]  }
0x2: {  	s0 =	rddreg [dreg:$0x1]  }
0x3: {  	s25 =	rddreg [dreg:$0x2];
	s13 =	stileid.u32  }
0x4: {  	s28 =	rddreg [dreg:$0x3];
	s6 =	smul.u32 $0x278, s13  }
0x5: {  	s2 =	srdreg.scid;
	s3 =	simm.s32 $0x0;
	s9 =	smul.u32 $0x4F000, s13  }
0x6: {  	s4 =	simm.s32 $0x0;
	s31 =	simm.s32 $0x0;
	s23 =	smul.u32 $0xA00, s13  }
0x7: {  	s2 =	sand.u32 $0x1, s2;
	[smem:$0x7FF] =	sst s3;
	s29 =	smul.u32 $0x2780, s13  }
0x8: {  	s10 =	sadd.s32 $0xA00, s0;
	s7 =	smul.u32 $0x27800, s2;
	_ =	strace $0x80000047  }
0x9: {  	s15 =	ssub.s32 $0x2, s2;
	s11 =	sshll.u32 s2, $0x4;
	s8 =	sshrl.u32 s6, $0x3  }
0xa: {  	s9 =	sshrl.u32 s9, $0x2;
	s12 =	sshrl.u32 s15, $0x1;
	[dreg:$0xf] =	wrdreg s29  }
0xb: {  	s7 =	sadd.s32 s7, s0;
	s0 =	sadd.s32 s8, s0;
	s14 =	sadd.s32 s9, s25  }
0xc: {  	s8 =	ssub.s32 s15, s12;
	s15 =	sadd.s32 s6, s28;
	[dreg:$0x6] =	wrdreg s14  }
0xd: {  	s20 =	smul.u32 $0xA000, s2;
	s17 =	sadd.s32 $0x4000, s14;
	[dreg:$0xc] =	wrdreg s15  }
0xe: {  	p0 =	sne.s32 s2, $0x0;
	s18 =	sadd.s32 $0x8000, s14;
	[dreg:$0x7] =	wrdreg s17  }
0xf: {  	p1 =	seq.s32 s2, $0x0;
	s19 =	sadd.s32 $0xC000, s14;
	[dreg:$0x8] =	wrdreg s18  }
0x10: {  	s16 =	sor.u32 s13, s11;
	s21 =	sadd.s32 $0x10000, s14;
	[dreg:$0x9] =	wrdreg s19  }
0x11: {  	s9 =	smul.u32 $0xA00, s16;
	s7 =	sadd.s32 $0x15000, s7;
	[dreg:$0xa] =	wrdreg s21  }
0x12: {  	s26 =	sadd.s32 s20, s10;
	s0 =	sadd.s32 $0x14A00, s0;
	[dreg:$0xe] =	wrdreg s7  }
0x13: {  	s12 =	simm.s32 $0x180;
	s30 =	smax.u32 s8, $0x1;
	[dreg:$0x10] =	wrdreg s0  }
0x14: {  	s6 =	sadd.s32 s23, s26;
	s23 =	simm.s32 $0x1;
	[dreg:$0x11] =	wrdreg s30  }
0x15: {  	s26 =	simm.s32 $0x180;
	s22 =	sadd.s32 s10, s9;
	[dreg:$0x5] =	wrdreg s6  }
0x16: {  	s18 =	simm.s32 $0x500;
	s19 =	simm.s32 $0x7;
	s6 =	simm.s32 $0x100  }
0x17: {  	s21 =	simm.s32 $0x4500;
	[dreg:$0xb] =	wrdreg s22;
	s24 =	sadd.s32 $0x20, s22  }
0x18: {  	v0 =	vimm.f32 $0.0e+00;
	v1 =	vimm.f32 $1.000000000e+00;
	s22 =	simm.s32 $0x80;
	[dreg:$0xd] =	wrdreg s24;
	s24 =	simm.s32 $0x2  }
.LBB2_1:
0x19: {  	[dreg:$0x12] =	wrdreg s4;
	s0 =	simm.s32 $0x0;
	s2 =	simm.s32 $0x200  }
.LBB2_2:
0x1a: {  	p2 =	sne.s32 s2, $0xFE00;
	[tilespmem:s0+$0x570] =	vst v0  }
0x1b: {  	[tilespmem:s0+$0x500] =	vst v0  }
0x1c: {  	[tilespmem:s0+$0x510] =	vst v0  }
.Ltmp0:
0x1d: {  	[tilespmem:s0+$0x520] =	vst v0;
	(pc) =	sbr.rel @p2 .LBB2_2-.Ltmp0, $4  }
0x1e: {  	[tilespmem:s0+$0x530] =	vst v0  }
0x1f: {  	[tilespmem:s0+$0x540] =	vst v0  }
0x20: {  	[tilespmem:s0+$0x550] =	vst v0  }
0x21: {  	[tilespmem:s0+$0x560] =	vst v0;
	s0 =	sshra.s32 s2, $0x2;
	s2 =	sadd.s32 $0x200, s2  }
0x22: {  	[tilespmem:s0+$0x570] =	vst v0  }
0x23: {  	[tilespmem:s0+$0x500] =	vst v0  }
0x24: {  	[tilespmem:s0+$0x510] =	vst v0  }
0x25: {  	[tilespmem:s0+$0x520] =	vst v0  }
0x26: {  	[tilespmem:s0+$0x530] =	vst v0  }
0x27: {  	[tilespmem:s0+$0x540] =	vst v0  }
0x28: {  	[tilespmem:s0+$0x550] =	vst v0  }
0x29: {  	[tilespmem:s0+$0x560] =	vst v0  }
0x2a: {  	[tilespmem:$0x200] =	vst v1  }
0x2b: {  	[tilespmem:$0x210] =	vst v1  }
0x2c: {  	[tilespmem:$0x220] =	vst v1  }
0x2d: {  	[tilespmem:$0x230] =	vst v1  }
0x2e: {  	[tilespmem:$0x240] =	vst v1  }
0x2f: {  	[tilespmem:$0x250] =	vst v1  }
0x30: {  	[tilespmem:$0x260] =	vst v1  }
0x31: {  	[tilespmem:$0x270] =	vst v1  }
0x32: {  	[tilespmem:$0x280] =	vst v0  }
0x33: {  	[tilespmem:$0x290] =	vst v0  }
0x34: {  	[tilespmem:$0x2A0] =	vst v0  }
0x35: {  	[tilespmem:$0x2B0] =	vst v0  }
0x36: {  	[tilespmem:$0x2C0] =	vst v0  }
0x37: {  	[tilespmem:$0x2D0] =	vst v0  }
0x38: {  	[tilespmem:$0x2E0] =	vst v0  }
0x39: {  	[tilespmem:$0x2F0] =	vst v0  }
0x3a: {  	[tilespmem:$0x300] =	vst v0  }
0x3b: {  	[tilespmem:$0x310] =	vst v0  }
0x3c: {  	[tilespmem:$0x320] =	vst v0  }
0x3d: {  	[tilespmem:$0x330] =	vst v0  }
0x3e: {  	[tilespmem:$0x340] =	vst v0  }
0x3f: {  	[tilespmem:$0x350] =	vst v0  }
0x40: {  	[tilespmem:$0x360] =	vst v0  }
0x41: {  	[tilespmem:$0x370] =	vst v0  }
0x42: {  	[tilespmem:$0x380] =	vst v0  }
0x43: {  	[tilespmem:$0x390] =	vst v0  }
0x44: {  	[tilespmem:$0x3A0] =	vst v0  }
0x45: {  	[tilespmem:$0x3B0] =	vst v0  }
0x46: {  	[tilespmem:$0x3C0] =	vst v0  }
0x47: {  	[tilespmem:$0x3D0] =	vst v0  }
0x48: {  	[tilespmem:$0x3E0] =	vst v0  }
0x49: {  	[tilespmem:$0x3F0] =	vst v0  }
0x4a: {  	[tilespmem:$0x400] =	vst v0  }
0x4b: {  	[tilespmem:$0x410] =	vst v0  }
0x4c: {  	[tilespmem:$0x420] =	vst v0  }
0x4d: {  	[tilespmem:$0x430] =	vst v0  }
0x4e: {  	[tilespmem:$0x440] =	vst v0  }
0x4f: {  	[tilespmem:$0x450] =	vst v0  }
0x50: {  	[tilespmem:$0x460] =	vst v0  }
0x51: {  	[tilespmem:$0x470] =	vst v0  }
0x52: {  	[tilespmem:$0x480] =	vst v0  }
0x53: {  	[tilespmem:$0x490] =	vst v0  }
0x54: {  	[tilespmem:$0x4A0] =	vst v0  }
0x55: {  	[tilespmem:$0x4B0] =	vst v0  }
0x56: {  	[tilespmem:$0x4C0] =	vst v0  }
0x57: {  	[tilespmem:$0x4D0] =	vst v0  }
0x58: {  	[tilespmem:$0x4E0] =	vst v0  }
0x59: {  	[tilespmem:$0x4E8] =	vst v0  }
0x5a: {  	[spmem:s14] =	stream.linear.scatter [tilespmem:s18], [sflag:$0x7], $0x4000, $0x38;
	[tilespmem:$0x1C378] =	vst v63  }
0x5b: {  	_ =	swait.ge [sflag:s19], $0x4000  }
0x5c: {  	[sflag:s19] =	ssyncset.done $0x0  }
0x5d: {  	s10 =	rddreg [dreg:$0x7];
	[sflag:s19] =	ssyncadd.s32 $0xFFFFC000  }
0x5e: {  	[spmem:s10] =	stream.linear.scatter [tilespmem:s18], [sflag:$0x7], $0x4000, $0x38;
	[tilespmem:$0x1C378] =	vst v63  }
0x5f: {  	_ =	swait.ge [sflag:s19], $0x4000  }
0x60: {  	[sflag:s19] =	ssyncset.done $0x0  }
0x61: {  	s11 =	rddreg [dreg:$0x8];
	[sflag:s19] =	ssyncadd.s32 $0xFFFFC000  }
0x62: {  	[spmem:s11] =	stream.linear.scatter [tilespmem:s18], [sflag:$0x7], $0x4000, $0x38;
	[tilespmem:$0x1C378] =	vst v63  }
0x63: {  	_ =	swait.ge [sflag:s19], $0x4000  }
0x64: {  	[sflag:s19] =	ssyncset.done $0x0  }
0x65: {  	s13 =	rddreg [dreg:$0x9];
	[sflag:s19] =	ssyncadd.s32 $0xFFFFC000  }
0x66: {  	[spmem:s13] =	stream.linear.scatter [tilespmem:s18], [sflag:$0x7], $0x4000, $0x38;
	[tilespmem:$0x1C378] =	vst v63  }
0x67: {  	_ =	swait.ge [sflag:s19], $0x4000  }
0x68: {  	[sflag:s19] =	ssyncset.done $0x0  }
0x69: {  	s14 =	rddreg [dreg:$0xa];
	[sflag:s19] =	ssyncadd.s32 $0xFFFFC000  }
0x6a: {  	[spmem:s14] =	stream.linear.scatter [tilespmem:s18], [sflag:$0x7], $0x3C00, $0x38;
	[tilespmem:$0x1C378] =	vst v63  }
0x6b: {  	_ =	swait.ge [sflag:s19], $0x3C00  }
0x6c: {  	[sflag:s19] =	ssyncset.done $0x0  }
0x6d: {  	s0 =	simm.s32 @!p0 $0x280;
	[sflag:s19] =	ssyncadd.s32 $0xFFFFC400  }
0x6e: {  	[spmem:s15] =	stream.linear.scatter @!p0 [tilespmem:s0], [sflag:$0x7], $0x278, $0x38;
	[tilespmem:$0x1C378] =	vst v63  }
0x6f: {  	s0 =	simm.s32 @!p0 $0x7  }
0x70: {  	_ =	swait.ge @!p0 [sflag:s0], $0x278  }
0x71: {  	[sflag:s0] =	ssyncset.done @!p0 $0x0  }
0x72: {  	[sflag:s0] =	ssyncadd.s32 @!p0 $0xFFFFFD88  }
0x73: {  	[bflag:$0x0] =	sbarrier.arrive $0xFFFF  }
0x74: {  	s15 =	rddreg [dreg:$0xb]  }
0x75: {  	[tilespmem:s3], [sflag:$0x3] =	stream.linear.gather [hbm4b:s15+s3], $0x100, $0x38;
	[tilespmem:$0x1C378] =	vst v63  }
0x76: {  	s17 =	simm.s32 $0x3;
	s16 =	rddreg [dreg:$0xd]  }
0x77: {  	[tilespmem:s6], [sflag:$0x4] =	stream.linear.gather [hbm4b:s16+s3], $0x100, $0x38;
	[tilespmem:$0x1C378] =	vst v63  }
0x78: {  	_ =	swait.ge [sflag:s17], $0x100  }
0x79: {  	[sflag:s17] =	ssyncset.done $0x0  }
0x7a: {  	[sflag:s17] =	ssyncadd.s32 $0xFFFFFF00  }
0x7b: {  	[tilespmem:s18], [sflag:$0x1] =	stream.indirect.gather [hbm4b:s1+s22], $0x80, s3, s22, $0xb8;
	[tilespmem:$0x1C378] =	vst v63  }
0x7c: {  	_ =	swait.ge [sflag:s23], $0x4000  }
0x7d: {  	[sflag:s23] =	ssyncset.done $0x0  }
0x7e: {  	[sflag:s23] =	ssyncadd.s32 $0xFFFFC000  }
0x7f: {  	[spmem:s25] =	stream.indirect.scatter.add.f32 [tilespmem:s18], [sflag:$0x7], $0x80, s22, s22, $0xb8;
	[tilespmem:$0x1C378] =	vst v63  }
0x80: {  	_ =	swait.ge [sflag:s19], $0x4000  }
0x81: {  	[sflag:s19] =	ssyncset.done $0x0  }
0x82: {  	s8 =	simm.s32 @p0 $0x4;
	[sflag:s19] =	ssyncadd.s32 $0xFFFFC000  }
0x83: {  	_ =	swait.ge @p0 [sflag:s8], $0x100  }
0x84: {  	s9 =	simm.s32 @p0 $0x4500;
	[sflag:s8] =	ssyncset.done @p0 $0x0  }
0x85: {  	s2 =	simm.s32 @p0 $0x100;
	s10 =	simm.s32 @p0 $0x80;
	[sflag:s8] =	ssyncadd.s32 @p0 $0xFFFFFF00  }
0x86: {  	[tilespmem:s9], [sflag:$0x2] =	stream.indirect.gather @p0 [hbm4b:s1+s10], $0x80, s2, s10, $0xb8;
	[tilespmem:$0x1C378] =	vst v63  }
0x87: {  	s29 =	simm.s32 @!p0 $0x80;
	s30 =	simm.s32 @!p0 $0x200;
	s13 =	simm.s32 @!p0 $0x4  }
0x88: {  	[spmem:s28] =	stream.indirect.scatter.add.f32 @!p0 [tilespmem:s30], [sflag:$0x5], $0x1, s29, s29, $0xb8;
	[tilespmem:$0x1C378] =	vst v63  }
0x89: {  	_ =	swait.ge @!p0 [sflag:s13], $0x100  }
0x8a: {  	s11 =	simm.s32 @!p0 $0x4500;
	[sflag:s13] =	ssyncset.done @!p0 $0x0  }
0x8b: {  	s16 =	simm.s32 @!p0 $0x5;
	s17 =	simm.s32 @!p0 $0x100;
	[sflag:s13] =	ssyncadd.s32 @!p0 $0xFFFFFF00  }
0x8c: {  	[tilespmem:s11], [sflag:$0x2] =	stream.indirect.gather @!p0 [hbm4b:s1+s29], $0x80, s17, s29, $0xb8;
	[tilespmem:$0x1C378] =	vst v63  }
0x8d: {  	_ =	swait.ge @!p0 [sflag:s16], $0x80  }
0x8e: {  	s20 =	rddreg [dreg:$0x5]  }
0x8f: {  	[sflag:s16] =	ssyncset.done @!p0 $0x0;
	s20 =	sadd.s32 $0xFFFFF640, s20  }
0x90: {  	[sflag:s16] =	ssyncadd.s32 @!p0 $0xFFFFFF80;
	s0 =	sadd.s32 $0xA00, s20  }
0x91: {  	[tilespmem:s3], [sflag:$0x3] =	stream.linear.gather [hbm4b:s0+s3], $0x100, $0x38;
	[tilespmem:$0x1C378] =	vst v63  }
0x92: {  	_ =	swait.ge [sflag:s24], $0x4000  }
0x93: {  	[sflag:s24] =	ssyncset.done $0x0  }
0x94: {  	[sflag:s24] =	ssyncadd.s32 $0xFFFFC000  }
0x95: {  	[spmem:s25] =	stream.indirect.scatter.add.f32 [tilespmem:s21], [sflag:$0x7], $0x80, s12, s22, $0xb8;
	[tilespmem:$0x1C378] =	vst v63  }
0x96: {  	_ =	swait.ge [sflag:s19], $0x4000  }
0x97: {  	[sflag:s19] =	ssyncset.done $0x0  }
0x98: {  	s21 =	simm.s32 @p0 $0x3;
	[sflag:s19] =	ssyncadd.s32 $0xFFFFC000  }
0x99: {  	_ =	swait.ge @p0 [sflag:s21], $0x100  }
0x9a: {  	[sflag:s21] =	ssyncset.done @p0 $0x0  }
0x9b: {  	s14 =	simm.s32 @p0 $0x500;
	s12 =	simm.s32 @p0 $0x0;
	[sflag:s21] =	ssyncadd.s32 @p0 $0xFFFFFF00  }
0x9c: {  	[tilespmem:s14], [sflag:$0x1] =	stream.indirect.gather @p0 [hbm4b:s1+s10], $0x80, s12, s10, $0xb8;
	[tilespmem:$0x1C378] =	vst v63  }
0x9d: {  	s15 =	simm.s32 @!p0 $0x3;
	s0 =	simm.s32 @!p0 $0x180  }
0x9e: {  	[spmem:s28] =	stream.indirect.scatter.add.f32 @!p0 [tilespmem:s30], [sflag:$0x6], $0x1, s0, s29, $0xb8;
	[tilespmem:$0x1C378] =	vst v63  }
0x9f: {  	_ =	swait.ge @!p0 [sflag:s15], $0x100  }
0xa0: {  	s7 =	simm.s32 @!p0 $0x6;
	[sflag:s15] =	ssyncset.done @!p0 $0x0  }
0xa1: {  	s5 =	simm.s32 @!p0 $0x0;
	s6 =	simm.s32 @!p0 $0x500;
	[sflag:s15] =	ssyncadd.s32 @!p0 $0xFFFFFF00  }
0xa2: {  	[tilespmem:s6], [sflag:$0x1] =	stream.indirect.gather @!p0 [hbm4b:s1+s29], $0x80, s5, s29, $0xb8;
	[tilespmem:$0x1C378] =	vst v63  }
0xa3: {  	s4 =	simm.s32 $0x100;
	_ =	swait.ge @!p0 [sflag:s7], $0x80  }
0xa4: {  	s20 =	sadd.s32 $0xA20, s20;
	s3 =	simm.s32 $0x4500;
	[sflag:s7] =	ssyncset.done @!p0 $0x0  }
0xa5: {  	s5 =	smov.u32 s28;
	s28 =	simm.s32 $0xFFFFF680;
	[sflag:s7] =	ssyncadd.s32 @!p0 $0xFFFFFF80  }
.LBB2_4:
0xa6: {  	[tilespmem:s4], [sflag:$0x4] =	stream.linear.gather [hbm4b:s20+s31], $0x100, $0x38;
	[tilespmem:$0x1C378] =	vst v63  }
0xa7: {  	_ =	swait.ge [sflag:s23], $0x4000  }
0xa8: {  	[sflag:s23] =	ssyncset.done $0x0  }
0xa9: {  	[sflag:s23] =	ssyncadd.s32 $0xFFFFC000  }
0xaa: {  	[spmem:s25] =	stream.indirect.scatter.add.f32 [tilespmem:s18], [sflag:$0x7], $0x80, s22, s22, $0xb8;
	[tilespmem:$0x1C378] =	vst v63  }
0xab: {  	_ =	swait.ge [sflag:s19], $0x4000  }
0xac: {  	[sflag:s19] =	ssyncset.done $0x0  }
0xad: {  	[sflag:s19] =	ssyncadd.s32 $0xFFFFC000  }
0xae: {  	_ =	swait.ge @p0 [sflag:s8], $0x100  }
0xaf: {  	[sflag:s8] =	ssyncset.done @p0 $0x0  }
0xb0: {  	[sflag:s8] =	ssyncadd.s32 @p0 $0xFFFFFF00  }
0xb1: {  	[tilespmem:s9], [sflag:$0x2] =	stream.indirect.gather @p0 [hbm4b:s1+s10], $0x80, s2, s10, $0xb8;
	[tilespmem:$0x1C378] =	vst v63  }
0xb2: {  	_ = 	snop  }
0xb3: {  	[spmem:s5] =	stream.indirect.scatter.add.f32 @!p0 [tilespmem:s30], [sflag:$0x5], $0x1, s29, s29, $0xb8;
	[tilespmem:$0x1C378] =	vst v63  }
0xb4: {  	_ =	swait.ge @!p0 [sflag:s13], $0x100  }
0xb5: {  	[sflag:s13] =	ssyncset.done @!p0 $0x0  }
0xb6: {  	[sflag:s13] =	ssyncadd.s32 @!p0 $0xFFFFFF00  }
0xb7: {  	[tilespmem:s11], [sflag:$0x2] =	stream.indirect.gather @!p0 [hbm4b:s1+s29], $0x80, s17, s29, $0xb8;
	[tilespmem:$0x1C378] =	vst v63  }
0xb8: {  	_ =	swait.ge @!p0 [sflag:s16], $0x80  }
0xb9: {  	s20 =	smov.u32 s28;
	s18 =	rddreg [dreg:$0x5]  }
0xba: {  	[sflag:s16] =	ssyncset.done @!p0 $0x0;
	s18 =	sadd.s32 s20, s18  }
0xbb: {  	[sflag:s16] =	ssyncadd.s32 @!p0 $0xFFFFFF80;
	s20 =	sadd.s32 $0xA00, s18  }
0xbc: {  	[tilespmem:s31], [sflag:$0x3] =	stream.linear.gather [hbm4b:s20+s31], $0x100, $0x38;
	[tilespmem:$0x1C378] =	vst v63  }
0xbd: {  	_ =	swait.ge [sflag:s24], $0x4000  }
0xbe: {  	[sflag:s24] =	ssyncset.done $0x0  }
0xbf: {  	[sflag:s24] =	ssyncadd.s32 $0xFFFFC000  }
0xc0: {  	[spmem:s25] =	stream.indirect.scatter.add.f32 [tilespmem:s3], [sflag:$0x7], $0x80, s26, s22, $0xb8;
	[tilespmem:$0x1C378] =	vst v63  }
0xc1: {  	_ =	swait.ge [sflag:s19], $0x4000  }
0xc2: {  	[sflag:s19] =	ssyncset.done $0x0  }
0xc3: {  	[sflag:s19] =	ssyncadd.s32 $0xFFFFC000  }
0xc4: {  	_ =	swait.ge @p0 [sflag:s21], $0x100  }
0xc5: {  	[sflag:s21] =	ssyncset.done @p0 $0x0  }
0xc6: {  	[sflag:s21] =	ssyncadd.s32 @p0 $0xFFFFFF00  }
0xc7: {  	[tilespmem:s14], [sflag:$0x1] =	stream.indirect.gather @p0 [hbm4b:s1+s10], $0x80, s12, s10, $0xb8;
	[tilespmem:$0x1C378] =	vst v63  }
0xc8: {  	_ = 	snop  }
0xc9: {  	[spmem:s5] =	stream.indirect.scatter.add.f32 @!p0 [tilespmem:s30], [sflag:$0x6], $0x1, s0, s29, $0xb8;
	[tilespmem:$0x1C378] =	vst v63  }
0xca: {  	s28 =	sadd.s32 $0x40, s28;
	_ =	swait.ge @!p0 [sflag:s15], $0x100  }
0xcb: {  	p2 =	sne.s32 s28, $0x0;
	[sflag:s15] =	ssyncset.done @!p0 $0x0  }
.Ltmp1:
0xcc: {  	s20 =	simm.s32 @!p0 $0x0;
	[sflag:s15] =	ssyncadd.s32 @!p0 $0xFFFFFF00;
	(pc) =	sbr.rel @p2 .LBB2_4-.Ltmp1, $4  }
0xcd: {  	[tilespmem:s6], [sflag:$0x1] =	stream.indirect.gather @!p0 [hbm4b:s1+s29], $0x80, s20, s29, $0xb8;
	[tilespmem:$0x1C378] =	vst v63  }
0xce: {  	_ =	swait.ge @!p0 [sflag:s7], $0x80  }
0xcf: {  	[sflag:s7] =	ssyncset.done @!p0 $0x0  }
0xd0: {  	s20 =	sadd.s32 $0xA20, s18;
	s18 =	simm.s32 $0x500;
	[sflag:s7] =	ssyncadd.s32 @!p0 $0xFFFFFF80  }
0xd1: {  	[tilespmem:s4], [sflag:$0x4] =	stream.linear.gather [hbm4b:s20+s31], $0x100, $0x38;
	[tilespmem:$0x1C378] =	vst v63  }
0xd2: {  	_ =	swait.ge [sflag:s23], $0x4000  }
0xd3: {  	[sflag:s23] =	ssyncset.done $0x0  }
0xd4: {  	[sflag:s23] =	ssyncadd.s32 $0xFFFFC000  }
0xd5: {  	[spmem:s25] =	stream.indirect.scatter.add.f32 [tilespmem:s18], [sflag:$0x7], $0x80, s22, s22, $0xb8;
	[tilespmem:$0x1C378] =	vst v63  }
0xd6: {  	_ =	swait.ge [sflag:s19], $0x4000  }
0xd7: {  	[sflag:s19] =	ssyncset.done $0x0  }
0xd8: {  	s2 =	simm.s32 @p1 $0x80;
	s6 =	simm.s32 @p1 $0x200;
	[sflag:s19] =	ssyncadd.s32 $0xFFFFC000  }
0xd9: {  	[spmem:s5] =	stream.indirect.scatter.add.f32 @p1 [tilespmem:s6], [sflag:$0x5], $0x1, s2, s2, $0xb8;
	[tilespmem:$0x1C378] =	vst v63  }
0xda: {  	s6 =	simm.s32 @p1 $0x4  }
0xdb: {  	_ =	swait.ge @p1 [sflag:s6], $0x100  }
0xdc: {  	[sflag:s6] =	ssyncset.done @p1 $0x0  }
0xdd: {  	s8 =	simm.s32 @p1 $0x4500;
	[sflag:s6] =	ssyncadd.s32 @p1 $0xFFFFFF00;
	s6 =	simm.s32 @p1 $0x100  }
0xde: {  	[tilespmem:s8], [sflag:$0x2] =	stream.indirect.gather @p1 [hbm4b:s1+s2], $0x80, s6, s2, $0xb8;
	[tilespmem:$0x1C378] =	vst v63  }
0xdf: {  	s2 =	simm.s32 @p1 $0x5  }
0xe0: {  	_ =	swait.ge @p1 [sflag:s2], $0x80  }
0xe1: {  	[sflag:s2] =	ssyncset.done @p1 $0x0  }
0xe2: {  	[sflag:s2] =	ssyncadd.s32 @p1 $0xFFFFFF80;
	s2 =	simm.s32 @!p1 $0x4  }
0xe3: {  	_ =	swait.ge @!p1 [sflag:s2], $0x100  }
0xe4: {  	s6 =	simm.s32 @!p1 $0x100;
	[sflag:s2] =	ssyncset.done @!p1 $0x0  }
0xe5: {  	s8 =	simm.s32 @!p1 $0x4500;
	[sflag:s2] =	ssyncadd.s32 @!p1 $0xFFFFFF00;
	s2 =	simm.s32 @!p1 $0x80  }
0xe6: {  	[tilespmem:s8], [sflag:$0x2] =	stream.indirect.gather @!p1 [hbm4b:s1+s2], $0x80, s6, s2, $0xb8;
	[tilespmem:$0x1C378] =	vst v63  }
0xe7: {  	_ =	swait.ge [sflag:s24], $0x4000  }
0xe8: {  	[sflag:s24] =	ssyncset.done $0x0  }
0xe9: {  	[sflag:s24] =	ssyncadd.s32 $0xFFFFC000  }
0xea: {  	[spmem:s25] =	stream.indirect.scatter.add.f32 [tilespmem:s3], [sflag:$0x7], $0x80, s26, s22, $0xb8;
	[tilespmem:$0x1C378] =	vst v63  }
0xeb: {  	_ =	swait.ge [sflag:s19], $0x4000  }
0xec: {  	[sflag:s19] =	ssyncset.done $0x0  }
0xed: {  	[sflag:s19] =	ssyncadd.s32 $0xFFFFC000  }
0xee: {  	[bflag:$0x0] =	sbarrier.arrive @p0 $0xFFFF  }
0xef: {  	s10 =	rddreg [dreg:$0xe]  }
0xf0: {  	s9 =	stileid.u32;
	s11 =	rddreg [dreg:$0xf]  }
0xf1: {  	s2 =	sshll.u32 @p0 s9, $0x6;
	s14 =	rddreg [dreg:$0x6]  }
0xf2: {  	s2 =	sor.u32 @p0 $0x1C07, s2;
	s6 =	sadd.s32 @p0 s11, s10;
	s8 =	sshrl.u32 @p0 s14, $0x3  }
0xf3: {  	[hbm:s6], [sflag:s2] =	dma.local @p0 [spmem:s8], $0x2780  }
0xf4: {  	s2 =	simm.s32 @p0 $0x7  }
0xf5: {  	_ =	swait.ge @p0 [sflag:s2], $0x2780  }
0xf6: {  	[sflag:s2] =	ssyncset.done @p0 $0x0  }
0xf7: {  	[sflag:s2] =	ssyncadd.s32 @p0 $0xFFFFD880  }
0xf8: {  	[spmem:s5] =	stream.indirect.scatter.add.f32 @!p0 [tilespmem:s30], [sflag:$0x6], $0x1, s0, s29, $0xb8;
	[tilespmem:$0x1C378] =	vst v63  }
0xf9: {  	_ =	swait.ge @!p0 [sflag:s7], $0x80  }
0xfa: {  	[sflag:s7] =	ssyncset.done @!p0 $0x0  }
0xfb: {  	s6 =	sshrl.u32 @!p0 s14, $0x3;
	s0 =	sshll.u32 @!p0 s9, $0x6;
	[sflag:s7] =	ssyncadd.s32 @!p0 $0xFFFFFF80  }
0xfc: {  	s2 =	sadd.s32 @!p0 s11, s10;
	s0 =	sor.u32 @!p0 $0x1C07, s0;
	[bflag:$0x0] =	sbarrier.arrive @!p0 $0xFFFF  }
0xfd: {  	[hbm:s2], [sflag:s0] =	dma.local @!p0 [spmem:s6], $0x2780  }
0xfe: {  	s0 =	simm.s32 @!p0 $0x7  }
0xff: {  	_ =	swait.ge @!p0 [sflag:s0], $0x2780  }
0x100: {  	[sflag:s0] =	ssyncset.done @!p0 $0x0  }
0x101: {  	s2 =	simm.s32 @!p0 $0x280;
	s15 =	rddreg [dreg:$0xc];
	[sflag:s0] =	ssyncadd.s32 @!p0 $0xFFFFD880  }
0x102: {  	[tilespmem:s2], [sflag:$0x7] =	stream.linear.gather @!p0 [spmem:s15], $0x278, $0x38;
	[tilespmem:$0x1C378] =	vst v63  }
0x103: {  	_ =	swait.ge @!p0 [sflag:s0], $0x278  }
0x104: {  	[sflag:s0] =	ssyncset.done @!p0 $0x0  }
0x105: {  	s3 =	simm.s32 @!p0 $0x0;
	s6 =	rddreg [dreg:$0x10];
	[sflag:s0] =	ssyncadd.s32 @!p0 $0xFFFFFD88  }
0x106: {  	[hbm4b:s6+s3] =	stream.linear.scatter @!p0 [tilespmem:s2], [sflag:$0x7], $0x278, $0x38;
	[tilespmem:$0x1C378] =	vst v63  }
0x107: {  	_ =	swait.ge @!p0 [sflag:s0], $0x278  }
0x108: {  	s29 =	rddreg [dreg:$0x12]  }
0x109: {  	s30 =	rddreg [dreg:$0x11];
	s4 =	sadd.s32 $0x1, s29  }
0x10a: {  	p2 =	sne.s32 s4, s30  }
.Ltmp2:
0x10b: {  	_ = 	snop;
	(pc) =	sbr.rel @p2 .LBB2_1-.Ltmp2, $4  }
0x10c: {  	_ = 	snop  }
0x10d: {  	s12 =	simm.s32 $0x180;
	s21 =	simm.s32 $0x4500  }
0x10e: {  	s28 =	smov.u32 s5;
	s7 =	stileid.u32;
	[sflag:s0] =	ssyncset.done @!p0 $0x0  }
0x10f: {  	s6 =	simm.s32 $0x100;
	s3 =	simm.s32 $0x0;
	[sflag:s0] =	ssyncadd.s32 @!p0 $0xFFFFFD88  }
0x110: {  	_ =	sfence.sel $0x180000  }
0x111: {  	[bflag:$0x0] =	sbarrier.arrive $0xFFFF  }
0x112: {  	_ =	strace $0x90000047  }
0x113: {  	[bflag:$0x2] =	sbarrier.arrive $0xFFFF  }
0x114: {  	p0 =	sne.s32 s7, $0x0;
	s0 =	rddreg [dreg:$0x4]  }
0x115: {  	s0 =	sadd.s32 @!p0 $0x100000, s0  }
0x116: {  	[sflag:s0] =	ssyncadd.tile.s32 @!p0 $0x1;
	_ =	shalt  }
.Lfunc_end2:
_tile_overlayer_lowered:
.L_overlay_start_2:
0x117: {  	(tag) =	ssettag $0x2  }
0x118: {  	s0 =	rddreg [dreg:$0x0];
	s2 =	stileid.u32  }
0x119: {  	s1 =	rddreg [dreg:$0x1];
	p0 =	sne.s32 s2, $0x0  }
0x11a: {  	s3 =	rddreg [dreg:$0x2];
	[bflag:$0x3] =	sbarrier.arrive $0xFFFF;
	s2 =	simm.s32 @!p0 $0x1C07  }
0x11b: {  	[timem:s3], [sflag:s2] =	dma.local @!p0 [hbm:s0], s1  }
0x11c: {  	s0 =	simm.s32 @!p0 $0x7  }
0x11d: {  	_ =	swait.ge @!p0 [sflag:s0], s1  }
0x11e: {  	s1 =	ssub.s32 @!p0 $0x0, s1;
	[sflag:s0] =	ssyncset.done @!p0 $0x0  }
0x11f: {  	[sflag:s0] =	ssyncadd.s32 @!p0 s1  }
0x120: {  	[bflag:$0x3] =	sbarrier.arrive $0xFFFF  }
0x121: {  	_ =	shalt  }

</sc_bundles>
